<compile_context>
chip_gen: v7x
topology: tpu7x:2x2x1
jax: 0.10.2.dev20260603
libtpu: 0.0.44.dev20260713+nightly
codegen_flags: <defaults>
</compile_context>

<pallas_src>
import functools
import jax
import jax.numpy as jnp
from jax import lax
from jax.experimental import pallas as pl
from jax.experimental.pallas import tpu as pltpu
from jax.experimental.pallas import tpu_sc as plsc

D_MODEL_ = 768
N_EXP_ = 64
NC_, NS_, L_ = 2, 16, 16
NW_ = NC_ * NS_


def _matmul_t_body(x_ref, wg_ref, lt_ref):
    bt = x_ref.shape[0]
    logits = lax.dot_general(
        x_ref[...], wg_ref[...],
        (((1,), (1,)), ((), ())),
        preferred_element_type=jnp.float32)
    lt = logits.T
    v = jnp.reshape(lt, (8, 8, bt // 128, 128))
    v = jnp.transpose(v, (0, 2, 1, 3))
    lt_ref[...] = v[None]


def _tc_logits_t(xf, wg, B, S, T):
    BT = 4096
    bpb = S // BT
    return pl.pallas_call(
        _matmul_t_body,
        grid=(T // BT,),
        in_specs=[
            pl.BlockSpec((BT, D_MODEL_), lambda i: (i, 0)),
            pl.BlockSpec((N_EXP_, D_MODEL_), lambda i: (0, 0)),
        ],
        out_specs=pl.BlockSpec(
            (1, 8, BT // 128, 8, 128),
            lambda i: (i // bpb, 0, i % bpb, 0, 0)),
        out_shape=jax.ShapeDtypeStruct((B, 8, S // 128, 8, 128), jnp.float32),
    )(xf, wg)


def _sc_topk(logits_flat, B, S, T):
    per_w = T // NW_
    n_groups = per_w // L_
    n_chains = 4
    chunks_per_w = per_w // 128

    mesh = plsc.VectorSubcoreMesh(core_axis_name="c", subcore_axis_name="s")

    @functools.partial(
        pl.kernel,
        mesh=mesh,
        out_type=[
            jax.ShapeDtypeStruct((2 * T,), jnp.float32),
            jax.ShapeDtypeStruct((2 * T,), jnp.int32),
        ],
        scratch_types=[
            pltpu.VMEM((per_w * N_EXP_,), jnp.float32),
            pltpu.VMEM((2 * per_w,), jnp.float32),
            pltpu.VMEM((2 * per_w,), jnp.int32),
            pltpu.SemaphoreType.DMA,
        ],
        compiler_params=pltpu.CompilerParams(needs_layout_passes=False),
    )
    def topk_kernel(logits_hbm, w_hbm, i_hbm, lv, wv, iv, sem):
        wid = lax.axis_index("s") * NC_ + lax.axis_index("c")
        base = wid * per_w
        b = base // S
        c0 = (base % S) // 128
        handles = []
        for j in range(8):
            off = b * (S * N_EXP_) + j * (S * 8) + c0 * 1024
            handles.append(pltpu.async_copy(
                logits_hbm.at[pl.ds(off, 8 * per_w)],
                lv.at[pl.ds(j * 8 * per_w, 8 * per_w)], sem))
        for h in handles:
            h.wait()

        neg_inf = jnp.full((L_,), -jnp.inf, jnp.float32)
        zeros_i = jnp.zeros((L_,), jnp.int32)

        def merge(m1a, i1a, m2a, i2a, m1b, i1b, m2b, i2b):
            gt = m1b > m1a
            M1 = jnp.where(gt, m1b, m1a)
            I1 = jnp.where(gt, i1b, i1a)
            Ml = jnp.where(gt, m1a, m1b)
            Il = jnp.where(gt, i1a, i1b)
            M2w = jnp.where(gt, m2b, m2a)
            I2w = jnp.where(gt, i2b, i2a)
            gt2 = Ml > M2w
            M2 = jnp.where(gt2, Ml, M2w)
            I2 = jnp.where(gt2, Il, I2w)
            return M1, I1, M2, I2

        def group_body(g, _):
            goff = (g // 8) * 1024 + (g % 8) * L_
            chains = []
            for c in range(n_chains):
                m1, m2 = neg_inf, neg_inf
                i1, i2 = zeros_i, zeros_i
                for jj in (2 * c, 2 * c + 1):
                    for r in range(8):
                        e = jj * 8 + r
                        v = lv[pl.ds(jj * 8192 + r * 128 + goff, L_)]
                        e_vec = jnp.full((L_,), e, jnp.int32)
                        gt1 = v > m1
                        gt2 = v > m2
                        m2n = jnp.where(gt1, m1, jnp.where(gt2, v, m2))
                        i2n = jnp.where(gt1, i1, jnp.where(gt2, e_vec, i2))
                        m1 = jnp.where(gt1, v, m1)
                        i1 = jnp.where(gt1, e_vec, i1)
                        m2, i2 = m2n, i2n
                chains.append((m1, i1, m2, i2))
            a = merge(*chains[0], *chains[1])
            bb = merge(*chains[2], *chains[3])
            m1, i1, m2, i2 = merge(*a, *bb)

            ex = jnp.exp(m2 - m1)
            denom = 1.0 + ex
            pos = (g // 8) * 256 + (g % 8) * L_
            wv[pl.ds(pos, L_)] = 1.0 / denom
            wv[pl.ds(pos + 128, L_)] = ex / denom
            iv[pl.ds(pos, L_)] = i1
            iv[pl.ds(pos + 128, L_)] = i2
            return ()

        lax.fori_loop(0, n_groups, group_body, ())

        pltpu.sync_copy(wv, w_hbm.at[pl.ds(2 * base, 2 * per_w)])
        pltpu.sync_copy(iv, i_hbm.at[pl.ds(2 * base, 2 * per_w)])

    return topk_kernel(logits_flat)


def kernel(x, W_gate):
    B, S, D = x.shape
    T = B * S
    xf = x.reshape(T, D)

    lt5 = _tc_logits_t(xf, W_gate, B, S, T)
    w_flat, i_flat = _sc_topk(lt5.reshape(T * N_EXP_), B, S, T)

    logits = jnp.transpose(lt5, (0, 2, 4, 1, 3)).reshape(B, S, N_EXP_)
    weights = jnp.transpose(
        w_flat.reshape(B, S // 128, 2, 128), (0, 1, 3, 2)).reshape(B, S, 2)
    indices = jnp.transpose(
        i_flat.reshape(B, S // 128, 2, 128), (0, 1, 3, 2)).reshape(B, S, 2)
    return (weights, indices, logits)

# --- scband reference (transcript-rebuilt; emitter-appended) ---
"""Pipeline reference for scband-router-21835613733539 (READ-ONLY COPY).

The authoritative reference and input builder live on the scoring server;
editing this copy changes nothing except your own understanding.
"""

import jax, jax.numpy as jnp
import numpy as np

D_MODEL = 768
NUM_EXPERTS = 64
TOP_K = 2


def setup_inputs(seed: int = 0) -> dict:
    key = jax.random.key(seed)
    k_x, k_w = jax.random.split(key)
    x = jax.random.normal(k_x, (4, 8192, D_MODEL), dtype=jnp.float32)
    # nn.Linear(d_model, num_experts, bias=False) weight has shape (num_experts, d_model)
    bound = 1.0 / np.sqrt(D_MODEL)
    W_gate = jax.random.uniform(k_w, (NUM_EXPERTS, D_MODEL), dtype=jnp.float32, minval=-bound, maxval=bound)
    return {"x": x, "W_gate": W_gate}


def reference(x, W_gate):
    # router_logits = self.gate(x)  -> x @ W.T
    router_logits = jnp.einsum("bsd,ed->bse", x, W_gate)
    # eval mode: no noise added (training-only exploration noise)
    routing_weights, expert_indices = jax.lax.top_k(router_logits, TOP_K)
    routing_weights = jax.nn.softmax(routing_weights, axis=-1)
    return (routing_weights, expert_indices, router_logits)

if __name__ == "__main__":
    import jax
    _d = setup_inputs()
    print(jax.jit(kernel)(*tuple(_d.values())))

</pallas_src>

<mosaic_0001>
#map = affine_map<(d0, d1) -> (0)>
module attributes {stable_mosaic.version = 14 : i64} {
  func.func @topk_kernel(%arg0: i32, %arg1: i32, %arg2: memref<2097152xf32, #tpu.memory_space<hbm>>, %arg3: memref<65536xf32, #tpu.memory_space<hbm>>, %arg4: memref<65536xi32, #tpu.memory_space<hbm>>, %arg5: memref<65536xf32, #tpu.memory_space<vmem>>, %arg6: memref<2048xf32, #tpu.memory_space<vmem>>, %arg7: memref<2048xi32, #tpu.memory_space<vmem>>, %arg8: memref<!tpu.dma_semaphore, #tpu.memory_space<semaphore_mem>>) attributes {dimension_semantics = [#tpu.dimension_semantics<core_parallel>, #tpu.dimension_semantics<subcore_parallel>], iteration_bounds = array<i64: 2, 16>, scalar_prefetch = 0 : i64, scratch_operands = 4 : i64, tpu.core_type = #tpu.core_type<sc_vector_subcore>, window_params = [{transform_indices = #map}, {transform_indices = #map}, {transform_indices = #map}]} {
    %mul3A = arith.constant 2 : i32
    %mul3A_0 = arith.muli %arg1, %mul3A : i32
    %add3A = arith.addi %mul3A_0, %arg0 : i32
    %mul3A_1 = arith.constant 1024 : i32
    %mul3A_2 = arith.muli %add3A, %mul3A_1 : i32
    %jit3A = arith.constant 8192 : i32
    %div3A = arith.divsi %mul3A_2, %jit3A : i32
    %sign3A = arith.constant 0 : i32
    %sign3A_3 = arith.cmpi sgt, %mul3A_2, %sign3A : i32
    %sign3A_4 = arith.extui %sign3A_3 : i1 to i32
    %sign3A_5 = arith.constant 0 : i32
    %sign3A_6 = arith.cmpi slt, %mul3A_2, %sign3A_5 : i32
    %sign3A_7 = arith.extui %sign3A_6 : i1 to i32
    %sign3A_8 = arith.subi %sign3A_4, %sign3A_7 : i32
    %sign3A_9 = arith.constant 0 : i32
    %sign3A_10 = arith.cmpi sgt, %jit3A, %sign3A_9 : i32
    %sign3A_11 = arith.extui %sign3A_10 : i1 to i32
    %sign3A_12 = arith.constant 0 : i32
    %sign3A_13 = arith.cmpi slt, %jit3A, %sign3A_12 : i32
    %sign3A_14 = arith.extui %sign3A_13 : i1 to i32
    %sign3A_15 = arith.subi %sign3A_11, %sign3A_14 : i32
    %ne3A = arith.cmpi ne, %sign3A_8, %sign3A_15 : i32
    %rem3A = arith.remsi %mul3A_2, %jit3A : i32
    %ne3A_16 = arith.constant 0 : i32
    %ne3A_17 = arith.cmpi ne, %rem3A, %ne3A_16 : i32
    %and3A = arith.andi %ne3A, %ne3A_17 : i1
    %sub3A = arith.constant 1 : i32
    %sub3A_18 = arith.subi %div3A, %sub3A : i32
    %select_n3A = arith.select %and3A, %sub3A_18, %div3A : i32
    %jit3A_19 = arith.constant 8192 : i32
    %eq3A = arith.constant 0 : i32
    %eq3A_20 = arith.cmpi eq, %jit3A_19, %eq3A : i32
    %jit3A_21 = arith.constant 1 : i32
    %select_n3A_22 = arith.select %eq3A_20, %jit3A_21, %jit3A_19 : i32
    %rem3A_23 = arith.remsi %mul3A_2, %select_n3A_22 : i32
    %ne3A_24 = arith.constant 0 : i32
    %ne3A_25 = arith.cmpi ne, %rem3A_23, %ne3A_24 : i32
    %lt3A = arith.constant 0 : i32
    %lt3A_26 = arith.cmpi slt, %rem3A_23, %lt3A : i32
    %lt3A_27 = arith.constant 0 : i32
    %lt3A_28 = arith.cmpi slt, %select_n3A_22, %lt3A_27 : i32
    %ne3A_29 = arith.xori %lt3A_26, %lt3A_28 : i1
    %and3A_30 = arith.andi %ne3A_29, %ne3A_25 : i1
    %add3A_31 = arith.addi %rem3A_23, %select_n3A_22 : i32
    %select_n3A_32 = arith.select %and3A_30, %add3A_31, %rem3A_23 : i32
    %jit3A_33 = arith.constant 128 : i32
    %div3A_34 = arith.divsi %select_n3A_32, %jit3A_33 : i32
    %sign3A_35 = arith.constant 0 : i32
    %sign3A_36 = arith.cmpi sgt, %select_n3A_32, %sign3A_35 : i32
    %sign3A_37 = arith.extui %sign3A_36 : i1 to i32
    %sign3A_38 = arith.constant 0 : i32
    %sign3A_39 = arith.cmpi slt, %select_n3A_32, %sign3A_38 : i32
    %sign3A_40 = arith.extui %sign3A_39 : i1 to i32
    %sign3A_41 = arith.subi %sign3A_37, %sign3A_40 : i32
    %sign3A_42 = arith.constant 0 : i32
    %sign3A_43 = arith.cmpi sgt, %jit3A_33, %sign3A_42 : i32
    %sign3A_44 = arith.extui %sign3A_43 : i1 to i32
    %sign3A_45 = arith.constant 0 : i32
    %sign3A_46 = arith.cmpi slt, %jit3A_33, %sign3A_45 : i32
    %sign3A_47 = arith.extui %sign3A_46 : i1 to i32
    %sign3A_48 = arith.subi %sign3A_44, %sign3A_47 : i32
    %ne3A_49 = arith.cmpi ne, %sign3A_41, %sign3A_48 : i32
    %rem3A_50 = arith.remsi %select_n3A_32, %jit3A_33 : i32
    %ne3A_51 = arith.constant 0 : i32
    %ne3A_52 = arith.cmpi ne, %rem3A_50, %ne3A_51 : i32
    %and3A_53 = arith.andi %ne3A_49, %ne3A_52 : i1
    %sub3A_54 = arith.constant 1 : i32
    %sub3A_55 = arith.subi %div3A_34, %sub3A_54 : i32
    %select_n3A_56 = arith.select %and3A_53, %sub3A_55, %div3A_34 : i32
    %mul3A_57 = arith.constant 524288 : i32
    %mul3A_58 = arith.muli %select_n3A, %mul3A_57 : i32
    %add3A_59 = arith.constant 0 : i32
    %add3A_60 = arith.addi %mul3A_58, %add3A_59 : i32
    %mul3A_61 = arith.constant 1024 : i32
    %mul3A_62 = arith.muli %select_n3A_56, %mul3A_61 : i32
    %add3A_63 = arith.addi %add3A_60, %mul3A_62 : i32
    %dma_start3A = arith.constant 0 : i32
    %dma_start3A_64 = tpu.memref_slice %arg5[%dma_start3A] : memref<65536xf32, #tpu.memory_space<vmem>> -> memref<8192xf32, #tpu.memory_space<vmem>>
    %dma_start3A_65 = tpu.memref_slice %arg2[%add3A_63] : memref<2097152xf32, #tpu.memory_space<hbm>> -> memref<8192xf32, #tpu.memory_space<hbm>>
    %dma_start3A_66 = arith.constant 0 : i32
    %dma_start3A_67 = tpu.memref_slice %arg5[%dma_start3A_66] : memref<65536xf32, #tpu.memory_space<vmem>> -> memref<8192xf32, #tpu.memory_space<vmem>>
    %dma_start3A_68 = tpu.memref_slice %arg2[%add3A_63] : memref<2097152xf32, #tpu.memory_space<hbm>> -> memref<8192xf32, #tpu.memory_space<hbm>>
    tpu.enqueue_dma source(%dma_start3A_68 : memref<8192xf32, #tpu.memory_space<hbm>>) target(%dma_start3A_67 : memref<8192xf32, #tpu.memory_space<vmem>>) target_semaphore(%arg8 : memref<!tpu.dma_semaphore, #tpu.memory_space<semaphore_mem>>)
    %mul3A_69 = arith.constant 524288 : i32
    %mul3A_70 = arith.muli %select_n3A, %mul3A_69 : i32
    %add3A_71 = arith.constant 65536 : i32
    %add3A_72 = arith.addi %mul3A_70, %add3A_71 : i32
    %mul3A_73 = arith.constant 1024 : i32
    %mul3A_74 = arith.muli %select_n3A_56, %mul3A_73 : i32
    %add3A_75 = arith.addi %add3A_72, %mul3A_74 : i32
    %dma_start3A_76 = arith.constant 8192 : i32
    %dma_start3A_77 = tpu.memref_slice %arg5[%dma_start3A_76] : memref<65536xf32, #tpu.memory_space<vmem>> -> memref<8192xf32, #tpu.memory_space<vmem>>
    %dma_start3A_78 = tpu.memref_slice %arg2[%add3A_75] : memref<2097152xf32, #tpu.memory_space<hbm>> -> memref<8192xf32, #tpu.memory_space<hbm>>
    %dma_start3A_79 = arith.constant 8192 : i32
    %dma_start3A_80 = tpu.memref_slice %arg5[%dma_start3A_79] : memref<65536xf32, #tpu.memory_space<vmem>> -> memref<8192xf32, #tpu.memory_space<vmem>>
    %dma_start3A_81 = tpu.memref_slice %arg2[%add3A_75] : memref<2097152xf32, #tpu.memory_space<hbm>> -> memref<8192xf32, #tpu.memory_space<hbm>>
    tpu.enqueue_dma source(%dma_start3A_81 : memref<8192xf32, #tpu.memory_space<hbm>>) target(%dma_start3A_80 : memref<8192xf32, #tpu.memory_space<vmem>>) target_semaphore(%arg8 : memref<!tpu.dma_semaphore, #tpu.memory_space<semaphore_mem>>)
    %mul3A_82 = arith.constant 524288 : i32
    %mul3A_83 = arith.muli %select_n3A, %mul3A_82 : i32
    %add3A_84 = arith.constant 131072 : i32
    %add3A_85 = arith.addi %mul3A_83, %add3A_84 : i32
    %mul3A_86 = arith.constant 1024 : i32
    %mul3A_87 = arith.muli %select_n3A_56, %mul3A_86 : i32
    %add3A_88 = arith.addi %add3A_85, %mul3A_87 : i32
    %dma_start3A_89 = arith.constant 16384 : i32
    %dma_start3A_90 = tpu.memref_slice %arg5[%dma_start3A_89] : memref<65536xf32, #tpu.memory_space<vmem>> -> memref<8192xf32, #tpu.memory_space<vmem>>
    %dma_start3A_91 = tpu.memref_slice %arg2[%add3A_88] : memref<2097152xf32, #tpu.memory_space<hbm>> -> memref<8192xf32, #tpu.memory_space<hbm>>
    %dma_start3A_92 = arith.constant 16384 : i32
    %dma_start3A_93 = tpu.memref_slice %arg5[%dma_start3A_92] : memref<65536xf32, #tpu.memory_space<vmem>> -> memref<8192xf32, #tpu.memory_space<vmem>>
    %dma_start3A_94 = tpu.memref_slice %arg2[%add3A_88] : memref<2097152xf32, #tpu.memory_space<hbm>> -> memref<8192xf32, #tpu.memory_space<hbm>>
    tpu.enqueue_dma source(%dma_start3A_94 : memref<8192xf32, #tpu.memory_space<hbm>>) target(%dma_start3A_93 : memref<8192xf32, #tpu.memory_space<vmem>>) target_semaphore(%arg8 : memref<!tpu.dma_semaphore, #tpu.memory_space<semaphore_mem>>)
    %mul3A_95 = arith.constant 524288 : i32
    %mul3A_96 = arith.muli %select_n3A, %mul3A_95 : i32
    %add3A_97 = arith.constant 196608 : i32
    %add3A_98 = arith.addi %mul3A_96, %add3A_97 : i32
    %mul3A_99 = arith.constant 1024 : i32
    %mul3A_100 = arith.muli %select_n3A_56, %mul3A_99 : i32
    %add3A_101 = arith.addi %add3A_98, %mul3A_100 : i32
    %dma_start3A_102 = arith.constant 24576 : i32
    %dma_start3A_103 = tpu.memref_slice %arg5[%dma_start3A_102] : memref<65536xf32, #tpu.memory_space<vmem>> -> memref<8192xf32, #tpu.memory_space<vmem>>
    %dma_start3A_104 = tpu.memref_slice %arg2[%add3A_101] : memref<2097152xf32, #tpu.memory_space<hbm>> -> memref<8192xf32, #tpu.memory_space<hbm>>
    %dma_start3A_105 = arith.constant 24576 : i32
    %dma_start3A_106 = tpu.memref_slice %arg5[%dma_start3A_105] : memref<65536xf32, #tpu.memory_space<vmem>> -> memref<8192xf32, #tpu.memory_space<vmem>>
    %dma_start3A_107 = tpu.memref_slice %arg2[%add3A_101] : memref<2097152xf32, #tpu.memory_space<hbm>> -> memref<8192xf32, #tpu.memory_space<hbm>>
    tpu.enqueue_dma source(%dma_start3A_107 : memref<8192xf32, #tpu.memory_space<hbm>>) target(%dma_start3A_106 : memref<8192xf32, #tpu.memory_space<vmem>>) target_semaphore(%arg8 : memref<!tpu.dma_semaphore, #tpu.memory_space<semaphore_mem>>)
    %mul3A_108 = arith.constant 524288 : i32
    %mul3A_109 = arith.muli %select_n3A, %mul3A_108 : i32
    %add3A_110 = arith.constant 262144 : i32
    %add3A_111 = arith.addi %mul3A_109, %add3A_110 : i32
    %mul3A_112 = arith.constant 1024 : i32
    %mul3A_113 = arith.muli %select_n3A_56, %mul3A_112 : i32
    %add3A_114 = arith.addi %add3A_111, %mul3A_113 : i32
    %dma_start3A_115 = arith.constant 32768 : i32
    %dma_start3A_116 = tpu.memref_slice %arg5[%dma_start3A_115] : memref<65536xf32, #tpu.memory_space<vmem>> -> memref<8192xf32, #tpu.memory_space<vmem>>
    %dma_start3A_117 = tpu.memref_slice %arg2[%add3A_114] : memref<2097152xf32, #tpu.memory_space<hbm>> -> memref<8192xf32, #tpu.memory_space<hbm>>
    %dma_start3A_118 = arith.constant 32768 : i32
    %dma_start3A_119 = tpu.memref_slice %arg5[%dma_start3A_118] : memref<65536xf32, #tpu.memory_space<vmem>> -> memref<8192xf32, #tpu.memory_space<vmem>>
    %dma_start3A_120 = tpu.memref_slice %arg2[%add3A_114] : memref<2097152xf32, #tpu.memory_space<hbm>> -> memref<8192xf32, #tpu.memory_space<hbm>>
    tpu.enqueue_dma source(%dma_start3A_120 : memref<8192xf32, #tpu.memory_space<hbm>>) target(%dma_start3A_119 : memref<8192xf32, #tpu.memory_space<vmem>>) target_semaphore(%arg8 : memref<!tpu.dma_semaphore, #tpu.memory_space<semaphore_mem>>)
    %mul3A_121 = arith.constant 524288 : i32
    %mul3A_122 = arith.muli %select_n3A, %mul3A_121 : i32
    %add3A_123 = arith.constant 327680 : i32
    %add3A_124 = arith.addi %mul3A_122, %add3A_123 : i32
    %mul3A_125 = arith.constant 1024 : i32
    %mul3A_126 = arith.muli %select_n3A_56, %mul3A_125 : i32
    %add3A_127 = arith.addi %add3A_124, %mul3A_126 : i32
    %dma_start3A_128 = arith.constant 40960 : i32
    %dma_start3A_129 = tpu.memref_slice %arg5[%dma_start3A_128] : memref<65536xf32, #tpu.memory_space<vmem>> -> memref<8192xf32, #tpu.memory_space<vmem>>
    %dma_start3A_130 = tpu.memref_slice %arg2[%add3A_127] : memref<2097152xf32, #tpu.memory_space<hbm>> -> memref<8192xf32, #tpu.memory_space<hbm>>
    %dma_start3A_131 = arith.constant 40960 : i32
    %dma_start3A_132 = tpu.memref_slice %arg5[%dma_start3A_131] : memref<65536xf32, #tpu.memory_space<vmem>> -> memref<8192xf32, #tpu.memory_space<vmem>>
    %dma_start3A_133 = tpu.memref_slice %arg2[%add3A_127] : memref<2097152xf32, #tpu.memory_space<hbm>> -> memref<8192xf32, #tpu.memory_space<hbm>>
    tpu.enqueue_dma source(%dma_start3A_133 : memref<8192xf32, #tpu.memory_space<hbm>>) target(%dma_start3A_132 : memref<8192xf32, #tpu.memory_space<vmem>>) target_semaphore(%arg8 : memref<!tpu.dma_semaphore, #tpu.memory_space<semaphore_mem>>)
    %mul3A_134 = arith.constant 524288 : i32
    %mul3A_135 = arith.muli %select_n3A, %mul3A_134 : i32
    %add3A_136 = arith.constant 393216 : i32
    %add3A_137 = arith.addi %mul3A_135, %add3A_136 : i32
    %mul3A_138 = arith.constant 1024 : i32
    %mul3A_139 = arith.muli %select_n3A_56, %mul3A_138 : i32
    %add3A_140 = arith.addi %add3A_137, %mul3A_139 : i32
    %dma_start3A_141 = arith.constant 49152 : i32
    %dma_start3A_142 = tpu.memref_slice %arg5[%dma_start3A_141] : memref<65536xf32, #tpu.memory_space<vmem>> -> memref<8192xf32, #tpu.memory_space<vmem>>
    %dma_start3A_143 = tpu.memref_slice %arg2[%add3A_140] : memref<2097152xf32, #tpu.memory_space<hbm>> -> memref<8192xf32, #tpu.memory_space<hbm>>
    %dma_start3A_144 = arith.constant 49152 : i32
    %dma_start3A_145 = tpu.memref_slice %arg5[%dma_start3A_144] : memref<65536xf32, #tpu.memory_space<vmem>> -> memref<8192xf32, #tpu.memory_space<vmem>>
    %dma_start3A_146 = tpu.memref_slice %arg2[%add3A_140] : memref<2097152xf32, #tpu.memory_space<hbm>> -> memref<8192xf32, #tpu.memory_space<hbm>>
    tpu.enqueue_dma source(%dma_start3A_146 : memref<8192xf32, #tpu.memory_space<hbm>>) target(%dma_start3A_145 : memref<8192xf32, #tpu.memory_space<vmem>>) target_semaphore(%arg8 : memref<!tpu.dma_semaphore, #tpu.memory_space<semaphore_mem>>)
    %mul3A_147 = arith.constant 524288 : i32
    %mul3A_148 = arith.muli %select_n3A, %mul3A_147 : i32
    %add3A_149 = arith.constant 458752 : i32
    %add3A_150 = arith.addi %mul3A_148, %add3A_149 : i32
    %mul3A_151 = arith.constant 1024 : i32
    %mul3A_152 = arith.muli %select_n3A_56, %mul3A_151 : i32
    %add3A_153 = arith.addi %add3A_150, %mul3A_152 : i32
    %dma_start3A_154 = arith.constant 57344 : i32
    %dma_start3A_155 = tpu.memref_slice %arg5[%dma_start3A_154] : memref<65536xf32, #tpu.memory_space<vmem>> -> memref<8192xf32, #tpu.memory_space<vmem>>
    %dma_start3A_156 = tpu.memref_slice %arg2[%add3A_153] : memref<2097152xf32, #tpu.memory_space<hbm>> -> memref<8192xf32, #tpu.memory_space<hbm>>
    %dma_start3A_157 = arith.constant 57344 : i32
    %dma_start3A_158 = tpu.memref_slice %arg5[%dma_start3A_157] : memref<65536xf32, #tpu.memory_space<vmem>> -> memref<8192xf32, #tpu.memory_space<vmem>>
    %dma_start3A_159 = tpu.memref_slice %arg2[%add3A_153] : memref<2097152xf32, #tpu.memory_space<hbm>> -> memref<8192xf32, #tpu.memory_space<hbm>>
    tpu.enqueue_dma source(%dma_start3A_159 : memref<8192xf32, #tpu.memory_space<hbm>>) target(%dma_start3A_158 : memref<8192xf32, #tpu.memory_space<vmem>>) target_semaphore(%arg8 : memref<!tpu.dma_semaphore, #tpu.memory_space<semaphore_mem>>)
    %dma_wait3A = arith.constant 0 : i32
    %dma_wait3A_160 = tpu.memref_slice %arg5[%dma_wait3A] : memref<65536xf32, #tpu.memory_space<vmem>> -> memref<8192xf32, #tpu.memory_space<vmem>>
    %dma_wait3A_161 = tpu.memref_slice %arg2[%add3A_63] : memref<2097152xf32, #tpu.memory_space<hbm>> -> memref<8192xf32, #tpu.memory_space<hbm>>
    %dma_wait3A_162 = arith.constant 0 : i32
    %dma_wait3A_163 = tpu.memref_slice %arg5[%dma_wait3A_162] : memref<65536xf32, #tpu.memory_space<vmem>> -> memref<8192xf32, #tpu.memory_space<vmem>>
    %dma_wait3A_164 = tpu.memref_slice %arg2[%add3A_63] : memref<2097152xf32, #tpu.memory_space<hbm>> -> memref<8192xf32, #tpu.memory_space<hbm>>
    tpu.wait_dma2 semaphore(%arg8 : memref<!tpu.dma_semaphore, #tpu.memory_space<semaphore_mem>>) src(%dma_wait3A_164 : memref<8192xf32, #tpu.memory_space<hbm>>) dst(%dma_wait3A_163 : memref<8192xf32, #tpu.memory_space<vmem>>)
    %dma_wait3A_165 = arith.constant 8192 : i32
    %dma_wait3A_166 = tpu.memref_slice %arg5[%dma_wait3A_165] : memref<65536xf32, #tpu.memory_space<vmem>> -> memref<8192xf32, #tpu.memory_space<vmem>>
    %dma_wait3A_167 = tpu.memref_slice %arg2[%add3A_75] : memref<2097152xf32, #tpu.memory_space<hbm>> -> memref<8192xf32, #tpu.memory_space<hbm>>
    %dma_wait3A_168 = arith.constant 8192 : i32
    %dma_wait3A_169 = tpu.memref_slice %arg5[%dma_wait3A_168] : memref<65536xf32, #tpu.memory_space<vmem>> -> memref<8192xf32, #tpu.memory_space<vmem>>
    %dma_wait3A_170 = tpu.memref_slice %arg2[%add3A_75] : memref<2097152xf32, #tpu.memory_space<hbm>> -> memref<8192xf32, #tpu.memory_space<hbm>>
    tpu.wait_dma2 semaphore(%arg8 : memref<!tpu.dma_semaphore, #tpu.memory_space<semaphore_mem>>) src(%dma_wait3A_170 : memref<8192xf32, #tpu.memory_space<hbm>>) dst(%dma_wait3A_169 : memref<8192xf32, #tpu.memory_space<vmem>>)
    %dma_wait3A_171 = arith.constant 16384 : i32
    %dma_wait3A_172 = tpu.memref_slice %arg5[%dma_wait3A_171] : memref<65536xf32, #tpu.memory_space<vmem>> -> memref<8192xf32, #tpu.memory_space<vmem>>
    %dma_wait3A_173 = tpu.memref_slice %arg2[%add3A_88] : memref<2097152xf32, #tpu.memory_space<hbm>> -> memref<8192xf32, #tpu.memory_space<hbm>>
    %dma_wait3A_174 = arith.constant 16384 : i32
    %dma_wait3A_175 = tpu.memref_slice %arg5[%dma_wait3A_174] : memref<65536xf32, #tpu.memory_space<vmem>> -> memref<8192xf32, #tpu.memory_space<vmem>>
    %dma_wait3A_176 = tpu.memref_slice %arg2[%add3A_88] : memref<2097152xf32, #tpu.memory_space<hbm>> -> memref<8192xf32, #tpu.memory_space<hbm>>
    tpu.wait_dma2 semaphore(%arg8 : memref<!tpu.dma_semaphore, #tpu.memory_space<semaphore_mem>>) src(%dma_wait3A_176 : memref<8192xf32, #tpu.memory_space<hbm>>) dst(%dma_wait3A_175 : memref<8192xf32, #tpu.memory_space<vmem>>)
    %dma_wait3A_177 = arith.constant 24576 : i32
    %dma_wait3A_178 = tpu.memref_slice %arg5[%dma_wait3A_177] : memref<65536xf32, #tpu.memory_space<vmem>> -> memref<8192xf32, #tpu.memory_space<vmem>>
    %dma_wait3A_179 = tpu.memref_slice %arg2[%add3A_101] : memref<2097152xf32, #tpu.memory_space<hbm>> -> memref<8192xf32, #tpu.memory_space<hbm>>
    %dma_wait3A_180 = arith.constant 24576 : i32
    %dma_wait3A_181 = tpu.memref_slice %arg5[%dma_wait3A_180] : memref<65536xf32, #tpu.memory_space<vmem>> -> memref<8192xf32, #tpu.memory_space<vmem>>
    %dma_wait3A_182 = tpu.memref_slice %arg2[%add3A_101] : memref<2097152xf32, #tpu.memory_space<hbm>> -> memref<8192xf32, #tpu.memory_space<hbm>>
    tpu.wait_dma2 semaphore(%arg8 : memref<!tpu.dma_semaphore, #tpu.memory_space<semaphore_mem>>) src(%dma_wait3A_182 : memref<8192xf32, #tpu.memory_space<hbm>>) dst(%dma_wait3A_181 : memref<8192xf32, #tpu.memory_space<vmem>>)
    %dma_wait3A_183 = arith.constant 32768 : i32
    %dma_wait3A_184 = tpu.memref_slice %arg5[%dma_wait3A_183] : memref<65536xf32, #tpu.memory_space<vmem>> -> memref<8192xf32, #tpu.memory_space<vmem>>
    %dma_wait3A_185 = tpu.memref_slice %arg2[%add3A_114] : memref<2097152xf32, #tpu.memory_space<hbm>> -> memref<8192xf32, #tpu.memory_space<hbm>>
    %dma_wait3A_186 = arith.constant 32768 : i32
    %dma_wait3A_187 = tpu.memref_slice %arg5[%dma_wait3A_186] : memref<65536xf32, #tpu.memory_space<vmem>> -> memref<8192xf32, #tpu.memory_space<vmem>>
    %dma_wait3A_188 = tpu.memref_slice %arg2[%add3A_114] : memref<2097152xf32, #tpu.memory_space<hbm>> -> memref<8192xf32, #tpu.memory_space<hbm>>
    tpu.wait_dma2 semaphore(%arg8 : memref<!tpu.dma_semaphore, #tpu.memory_space<semaphore_mem>>) src(%dma_wait3A_188 : memref<8192xf32, #tpu.memory_space<hbm>>) dst(%dma_wait3A_187 : memref<8192xf32, #tpu.memory_space<vmem>>)
    %dma_wait3A_189 = arith.constant 40960 : i32
    %dma_wait3A_190 = tpu.memref_slice %arg5[%dma_wait3A_189] : memref<65536xf32, #tpu.memory_space<vmem>> -> memref<8192xf32, #tpu.memory_space<vmem>>
    %dma_wait3A_191 = tpu.memref_slice %arg2[%add3A_127] : memref<2097152xf32, #tpu.memory_space<hbm>> -> memref<8192xf32, #tpu.memory_space<hbm>>
    %dma_wait3A_192 = arith.constant 40960 : i32
    %dma_wait3A_193 = tpu.memref_slice %arg5[%dma_wait3A_192] : memref<65536xf32, #tpu.memory_space<vmem>> -> memref<8192xf32, #tpu.memory_space<vmem>>
    %dma_wait3A_194 = tpu.memref_slice %arg2[%add3A_127] : memref<2097152xf32, #tpu.memory_space<hbm>> -> memref<8192xf32, #tpu.memory_space<hbm>>
    tpu.wait_dma2 semaphore(%arg8 : memref<!tpu.dma_semaphore, #tpu.memory_space<semaphore_mem>>) src(%dma_wait3A_194 : memref<8192xf32, #tpu.memory_space<hbm>>) dst(%dma_wait3A_193 : memref<8192xf32, #tpu.memory_space<vmem>>)
    %dma_wait3A_195 = arith.constant 49152 : i32
    %dma_wait3A_196 = tpu.memref_slice %arg5[%dma_wait3A_195] : memref<65536xf32, #tpu.memory_space<vmem>> -> memref<8192xf32, #tpu.memory_space<vmem>>
    %dma_wait3A_197 = tpu.memref_slice %arg2[%add3A_140] : memref<2097152xf32, #tpu.memory_space<hbm>> -> memref<8192xf32, #tpu.memory_space<hbm>>
    %dma_wait3A_198 = arith.constant 49152 : i32
    %dma_wait3A_199 = tpu.memref_slice %arg5[%dma_wait3A_198] : memref<65536xf32, #tpu.memory_space<vmem>> -> memref<8192xf32, #tpu.memory_space<vmem>>
    %dma_wait3A_200 = tpu.memref_slice %arg2[%add3A_140] : memref<2097152xf32, #tpu.memory_space<hbm>> -> memref<8192xf32, #tpu.memory_space<hbm>>
    tpu.wait_dma2 semaphore(%arg8 : memref<!tpu.dma_semaphore, #tpu.memory_space<semaphore_mem>>) src(%dma_wait3A_200 : memref<8192xf32, #tpu.memory_space<hbm>>) dst(%dma_wait3A_199 : memref<8192xf32, #tpu.memory_space<vmem>>)
    %dma_wait3A_201 = arith.constant 57344 : i32
    %dma_wait3A_202 = tpu.memref_slice %arg5[%dma_wait3A_201] : memref<65536xf32, #tpu.memory_space<vmem>> -> memref<8192xf32, #tpu.memory_space<vmem>>
    %dma_wait3A_203 = tpu.memref_slice %arg2[%add3A_153] : memref<2097152xf32, #tpu.memory_space<hbm>> -> memref<8192xf32, #tpu.memory_space<hbm>>
    %dma_wait3A_204 = arith.constant 57344 : i32
    %dma_wait3A_205 = tpu.memref_slice %arg5[%dma_wait3A_204] : memref<65536xf32, #tpu.memory_space<vmem>> -> memref<8192xf32, #tpu.memory_space<vmem>>
    %dma_wait3A_206 = tpu.memref_slice %arg2[%add3A_153] : memref<2097152xf32, #tpu.memory_space<hbm>> -> memref<8192xf32, #tpu.memory_space<hbm>>
    tpu.wait_dma2 semaphore(%arg8 : memref<!tpu.dma_semaphore, #tpu.memory_space<semaphore_mem>>) src(%dma_wait3A_206 : memref<8192xf32, #tpu.memory_space<hbm>>) dst(%dma_wait3A_205 : memref<8192xf32, #tpu.memory_space<vmem>>)
    %broadcast_in_dim3A = arith.constant 0xFF800000 : f32
    %broadcast_in_dim3A_207 = vector.broadcast %broadcast_in_dim3A : f32 to vector<16xf32>
    %broadcast_in_dim3A_208 = arith.constant 0 : i32
    %broadcast_in_dim3A_209 = vector.broadcast %broadcast_in_dim3A_208 : i32 to vector<16xi32>
    %scan3A = arith.constant 0 : i32
    %scan3A_210 = arith.constant 64 : i32
    %scan3A_211 = arith.addi %scan3A, %scan3A_210 : i32
    %scan3A_212 = arith.constant 1 : i32
    scf.for %scan3A_218 = %scan3A to %scan3A_211 step %scan3A_212  : i32 {
      %jit3A_219 = arith.constant 8 : i32
      %div3A_220 = arith.divsi %scan3A_218, %jit3A_219 : i32
      %sign3A_221 = arith.constant 0 : i32
      %sign3A_222 = arith.cmpi sgt, %scan3A_218, %sign3A_221 : i32
      %sign3A_223 = arith.extui %sign3A_222 : i1 to i32
      %sign3A_224 = arith.constant 0 : i32
      %sign3A_225 = arith.cmpi slt, %scan3A_218, %sign3A_224 : i32
      %sign3A_226 = arith.extui %sign3A_225 : i1 to i32
      %sign3A_227 = arith.subi %sign3A_223, %sign3A_226 : i32
      %sign3A_228 = arith.constant 0 : i32
      %sign3A_229 = arith.cmpi sgt, %jit3A_219, %sign3A_228 : i32
      %sign3A_230 = arith.extui %sign3A_229 : i1 to i32
      %sign3A_231 = arith.constant 0 : i32
      %sign3A_232 = arith.cmpi slt, %jit3A_219, %sign3A_231 : i32
      %sign3A_233 = arith.extui %sign3A_232 : i1 to i32
      %sign3A_234 = arith.subi %sign3A_230, %sign3A_233 : i32
      %ne3A_235 = arith.cmpi ne, %sign3A_227, %sign3A_234 : i32
      %rem3A_236 = arith.remsi %scan3A_218, %jit3A_219 : i32
      %ne3A_237 = arith.constant 0 : i32
      %ne3A_238 = arith.cmpi ne, %rem3A_236, %ne3A_237 : i32
      %and3A_239 = arith.andi %ne3A_235, %ne3A_238 : i1
      %sub3A_240 = arith.constant 1 : i32
      %sub3A_241 = arith.subi %div3A_220, %sub3A_240 : i32
      %select_n3A_242 = arith.select %and3A_239, %sub3A_241, %div3A_220 : i32
      %mul3A_243 = arith.constant 1024 : i32
      %mul3A_244 = arith.muli %select_n3A_242, %mul3A_243 : i32
      %jit3A_245 = arith.constant 8 : i32
      %eq3A_246 = arith.constant 0 : i32
      %eq3A_247 = arith.cmpi eq, %jit3A_245, %eq3A_246 : i32
      %jit3A_248 = arith.constant 1 : i32
      %select_n3A_249 = arith.select %eq3A_247, %jit3A_248, %jit3A_245 : i32
      %rem3A_250 = arith.remsi %scan3A_218, %select_n3A_249 : i32
      %ne3A_251 = arith.constant 0 : i32
      %ne3A_252 = arith.cmpi ne, %rem3A_250, %ne3A_251 : i32
      %lt3A_253 = arith.constant 0 : i32
      %lt3A_254 = arith.cmpi slt, %rem3A_250, %lt3A_253 : i32
      %lt3A_255 = arith.constant 0 : i32
      %lt3A_256 = arith.cmpi slt, %select_n3A_249, %lt3A_255 : i32
      %ne3A_257 = arith.xori %lt3A_254, %lt3A_256 : i1
      %and3A_258 = arith.andi %ne3A_257, %ne3A_252 : i1
      %add3A_259 = arith.addi %rem3A_250, %select_n3A_249 : i32
      %select_n3A_260 = arith.select %and3A_258, %add3A_259, %rem3A_250 : i32
      %mul3A_261 = arith.constant 16 : i32
      %mul3A_262 = arith.muli %select_n3A_260, %mul3A_261 : i32
      %add3A_263 = arith.addi %mul3A_244, %mul3A_262 : i32
      %add3A_264 = arith.constant 0 : i32
      %add3A_265 = arith.addi %add3A_264, %add3A_263 : i32
      %get3A = arith.index_cast %add3A_265 : i32 to index
      %get3A_266 = tpu.vector_load %arg5[%get3A] {strides = array<i32>} : memref<65536xf32, #tpu.memory_space<vmem>>, vector<16xf32>,
      %broadcast_in_dim3A_267 = arith.constant 0 : i32
      %broadcast_in_dim3A_268 = vector.broadcast %broadcast_in_dim3A_267 : i32 to vector<16xi32>
      %gt3A = arith.cmpf ogt, %get3A_266, %broadcast_in_dim3A_207 : vector<16xf32>
      %gt3A_269 = arith.cmpf ogt, %get3A_266, %broadcast_in_dim3A_207 : vector<16xf32>
      %select_n3A_270 = arith.select %gt3A_269, %get3A_266, %broadcast_in_dim3A_207 : vector<16xi1>, vector<16xf32>
      %select_n3A_271 = arith.select %gt3A, %broadcast_in_dim3A_207, %select_n3A_270 : vector<16xi1>, vector<16xf32>
      %select_n3A_272 = arith.select %gt3A_269, %broadcast_in_dim3A_268, %broadcast_in_dim3A_209 : vector<16xi1>, vector<16xi32>
      %select_n3A_273 = arith.select %gt3A, %broadcast_in_dim3A_209, %select_n3A_272 : vector<16xi1>, vector<16xi32>
      %select_n3A_274 = arith.select %gt3A, %get3A_266, %broadcast_in_dim3A_207 : vector<16xi1>, vector<16xf32>
      %select_n3A_275 = arith.select %gt3A, %broadcast_in_dim3A_268, %broadcast_in_dim3A_209 : vector<16xi1>, vector<16xi32>
      %add3A_276 = arith.constant 128 : i32
      %add3A_277 = arith.addi %add3A_276, %add3A_263 : i32
      %get3A_278 = arith.index_cast %add3A_277 : i32 to index
      %get3A_279 = tpu.vector_load %arg5[%get3A_278] {strides = array<i32>} : memref<65536xf32, #tpu.memory_space<vmem>>, vector<16xf32>,
      %broadcast_in_dim3A_280 = arith.constant 1 : i32
      %broadcast_in_dim3A_281 = vector.broadcast %broadcast_in_dim3A_280 : i32 to vector<16xi32>
      %gt3A_282 = arith.cmpf ogt, %get3A_279, %select_n3A_274 : vector<16xf32>
      %gt3A_283 = arith.cmpf ogt, %get3A_279, %select_n3A_271 : vector<16xf32>
      %select_n3A_284 = arith.select %gt3A_283, %get3A_279, %select_n3A_271 : vector<16xi1>, vector<16xf32>
      %select_n3A_285 = arith.select %gt3A_282, %select_n3A_274, %select_n3A_284 : vector<16xi1>, vector<16xf32>
      %select_n3A_286 = arith.select %gt3A_283, %broadcast_in_dim3A_281, %select_n3A_273 : vector<16xi1>, vector<16xi32>
      %select_n3A_287 = arith.select %gt3A_282, %select_n3A_275, %select_n3A_286 : vector<16xi1>, vector<16xi32>
      %select_n3A_288 = arith.select %gt3A_282, %get3A_279, %select_n3A_274 : vector<16xi1>, vector<16xf32>
      %select_n3A_289 = arith.select %gt3A_282, %broadcast_in_dim3A_281, %select_n3A_275 : vector<16xi1>, vector<16xi32>
      %add3A_290 = arith.constant 256 : i32
      %add3A_291 = arith.addi %add3A_290, %add3A_263 : i32
      %get3A_292 = arith.index_cast %add3A_291 : i32 to index
      %get3A_293 = tpu.vector_load %arg5[%get3A_292] {strides = array<i32>} : memref<65536xf32, #tpu.memory_space<vmem>>, vector<16xf32>,
      %broadcast_in_dim3A_294 = arith.constant 2 : i32
      %broadcast_in_dim3A_295 = vector.broadcast %broadcast_in_dim3A_294 : i32 to vector<16xi32>
      %gt3A_296 = arith.cmpf ogt, %get3A_293, %select_n3A_288 : vector<16xf32>
      %gt3A_297 = arith.cmpf ogt, %get3A_293, %select_n3A_285 : vector<16xf32>
      %select_n3A_298 = arith.select %gt3A_297, %get3A_293, %select_n3A_285 : vector<16xi1>, vector<16xf32>
      %select_n3A_299 = arith.select %gt3A_296, %select_n3A_288, %select_n3A_298 : vector<16xi1>, vector<16xf32>
      %select_n3A_300 = arith.select %gt3A_297, %broadcast_in_dim3A_295, %select_n3A_287 : vector<16xi1>, vector<16xi32>
      %select_n3A_301 = arith.select %gt3A_296, %select_n3A_289, %select_n3A_300 : vector<16xi1>, vector<16xi32>
      %select_n3A_302 = arith.select %gt3A_296, %get3A_293, %select_n3A_288 : vector<16xi1>, vector<16xf32>
      %select_n3A_303 = arith.select %gt3A_296, %broadcast_in_dim3A_295, %select_n3A_289 : vector<16xi1>, vector<16xi32>
      %add3A_304 = arith.constant 384 : i32
      %add3A_305 = arith.addi %add3A_304, %add3A_263 : i32
      %get3A_306 = arith.index_cast %add3A_305 : i32 to index
      %get3A_307 = tpu.vector_load %arg5[%get3A_306] {strides = array<i32>} : memref<65536xf32, #tpu.memory_space<vmem>>, vector<16xf32>,
      %broadcast_in_dim3A_308 = arith.constant 3 : i32
      %broadcast_in_dim3A_309 = vector.broadcast %broadcast_in_dim3A_308 : i32 to vector<16xi32>
      %gt3A_310 = arith.cmpf ogt, %get3A_307, %select_n3A_302 : vector<16xf32>
      %gt3A_311 = arith.cmpf ogt, %get3A_307, %select_n3A_299 : vector<16xf32>
      %select_n3A_312 = arith.select %gt3A_311, %get3A_307, %select_n3A_299 : vector<16xi1>, vector<16xf32>
      %select_n3A_313 = arith.select %gt3A_310, %select_n3A_302, %select_n3A_312 : vector<16xi1>, vector<16xf32>
      %select_n3A_314 = arith.select %gt3A_311, %broadcast_in_dim3A_309, %select_n3A_301 : vector<16xi1>, vector<16xi32>
      %select_n3A_315 = arith.select %gt3A_310, %select_n3A_303, %select_n3A_314 : vector<16xi1>, vector<16xi32>
      %select_n3A_316 = arith.select %gt3A_310, %get3A_307, %select_n3A_302 : vector<16xi1>, vector<16xf32>
      %select_n3A_317 = arith.select %gt3A_310, %broadcast_in_dim3A_309, %select_n3A_303 : vector<16xi1>, vector<16xi32>
      %add3A_318 = arith.constant 512 : i32
      %add3A_319 = arith.addi %add3A_318, %add3A_263 : i32
      %get3A_320 = arith.index_cast %add3A_319 : i32 to index
      %get3A_321 = tpu.vector_load %arg5[%get3A_320] {strides = array<i32>} : memref<65536xf32, #tpu.memory_space<vmem>>, vector<16xf32>,
      %broadcast_in_dim3A_322 = arith.constant 4 : i32
      %broadcast_in_dim3A_323 = vector.broadcast %broadcast_in_dim3A_322 : i32 to vector<16xi32>
      %gt3A_324 = arith.cmpf ogt, %get3A_321, %select_n3A_316 : vector<16xf32>
      %gt3A_325 = arith.cmpf ogt, %get3A_321, %select_n3A_313 : vector<16xf32>
      %select_n3A_326 = arith.select %gt3A_325, %get3A_321, %select_n3A_313 : vector<16xi1>, vector<16xf32>
      %select_n3A_327 = arith.select %gt3A_324, %select_n3A_316, %select_n3A_326 : vector<16xi1>, vector<16xf32>
      %select_n3A_328 = arith.select %gt3A_325, %broadcast_in_dim3A_323, %select_n3A_315 : vector<16xi1>, vector<16xi32>
      %select_n3A_329 = arith.select %gt3A_324, %select_n3A_317, %select_n3A_328 : vector<16xi1>, vector<16xi32>
      %select_n3A_330 = arith.select %gt3A_324, %get3A_321, %select_n3A_316 : vector<16xi1>, vector<16xf32>
      %select_n3A_331 = arith.select %gt3A_324, %broadcast_in_dim3A_323, %select_n3A_317 : vector<16xi1>, vector<16xi32>
      %add3A_332 = arith.constant 640 : i32
      %add3A_333 = arith.addi %add3A_332, %add3A_263 : i32
      %get3A_334 = arith.index_cast %add3A_333 : i32 to index
      %get3A_335 = tpu.vector_load %arg5[%get3A_334] {strides = array<i32>} : memref<65536xf32, #tpu.memory_space<vmem>>, vector<16xf32>,
      %broadcast_in_dim3A_336 = arith.constant 5 : i32
      %broadcast_in_dim3A_337 = vector.broadcast %broadcast_in_dim3A_336 : i32 to vector<16xi32>
      %gt3A_338 = arith.cmpf ogt, %get3A_335, %select_n3A_330 : vector<16xf32>
      %gt3A_339 = arith.cmpf ogt, %get3A_335, %select_n3A_327 : vector<16xf32>
      %select_n3A_340 = arith.select %gt3A_339, %get3A_335, %select_n3A_327 : vector<16xi1>, vector<16xf32>
      %select_n3A_341 = arith.select %gt3A_338, %select_n3A_330, %select_n3A_340 : vector<16xi1>, vector<16xf32>
      %select_n3A_342 = arith.select %gt3A_339, %broadcast_in_dim3A_337, %select_n3A_329 : vector<16xi1>, vector<16xi32>
      %select_n3A_343 = arith.select %gt3A_338, %select_n3A_331, %select_n3A_342 : vector<16xi1>, vector<16xi32>
      %select_n3A_344 = arith.select %gt3A_338, %get3A_335, %select_n3A_330 : vector<16xi1>, vector<16xf32>
      %select_n3A_345 = arith.select %gt3A_338, %broadcast_in_dim3A_337, %select_n3A_331 : vector<16xi1>, vector<16xi32>
      %add3A_346 = arith.constant 768 : i32
      %add3A_347 = arith.addi %add3A_346, %add3A_263 : i32
      %get3A_348 = arith.index_cast %add3A_347 : i32 to index
      %get3A_349 = tpu.vector_load %arg5[%get3A_348] {strides = array<i32>} : memref<65536xf32, #tpu.memory_space<vmem>>, vector<16xf32>,
      %broadcast_in_dim3A_350 = arith.constant 6 : i32
      %broadcast_in_dim3A_351 = vector.broadcast %broadcast_in_dim3A_350 : i32 to vector<16xi32>
      %gt3A_352 = arith.cmpf ogt, %get3A_349, %select_n3A_344 : vector<16xf32>
      %gt3A_353 = arith.cmpf ogt, %get3A_349, %select_n3A_341 : vector<16xf32>
      %select_n3A_354 = arith.select %gt3A_353, %get3A_349, %select_n3A_341 : vector<16xi1>, vector<16xf32>
      %select_n3A_355 = arith.select %gt3A_352, %select_n3A_344, %select_n3A_354 : vector<16xi1>, vector<16xf32>
      %select_n3A_356 = arith.select %gt3A_353, %broadcast_in_dim3A_351, %select_n3A_343 : vector<16xi1>, vector<16xi32>
      %select_n3A_357 = arith.select %gt3A_352, %select_n3A_345, %select_n3A_356 : vector<16xi1>, vector<16xi32>
      %select_n3A_358 = arith.select %gt3A_352, %get3A_349, %select_n3A_344 : vector<16xi1>, vector<16xf32>
      %select_n3A_359 = arith.select %gt3A_352, %broadcast_in_dim3A_351, %select_n3A_345 : vector<16xi1>, vector<16xi32>
      %add3A_360 = arith.constant 896 : i32
      %add3A_361 = arith.addi %add3A_360, %add3A_263 : i32
      %get3A_362 = arith.index_cast %add3A_361 : i32 to index
      %get3A_363 = tpu.vector_load %arg5[%get3A_362] {strides = array<i32>} : memref<65536xf32, #tpu.memory_space<vmem>>, vector<16xf32>,
      %broadcast_in_dim3A_364 = arith.constant 7 : i32
      %broadcast_in_dim3A_365 = vector.broadcast %broadcast_in_dim3A_364 : i32 to vector<16xi32>
      %gt3A_366 = arith.cmpf ogt, %get3A_363, %select_n3A_358 : vector<16xf32>
      %gt3A_367 = arith.cmpf ogt, %get3A_363, %select_n3A_355 : vector<16xf32>
      %select_n3A_368 = arith.select %gt3A_367, %get3A_363, %select_n3A_355 : vector<16xi1>, vector<16xf32>
      %select_n3A_369 = arith.select %gt3A_366, %select_n3A_358, %select_n3A_368 : vector<16xi1>, vector<16xf32>
      %select_n3A_370 = arith.select %gt3A_367, %broadcast_in_dim3A_365, %select_n3A_357 : vector<16xi1>, vector<16xi32>
      %select_n3A_371 = arith.select %gt3A_366, %select_n3A_359, %select_n3A_370 : vector<16xi1>, vector<16xi32>
      %select_n3A_372 = arith.select %gt3A_366, %get3A_363, %select_n3A_358 : vector<16xi1>, vector<16xf32>
      %select_n3A_373 = arith.select %gt3A_366, %broadcast_in_dim3A_365, %select_n3A_359 : vector<16xi1>, vector<16xi32>
      %add3A_374 = arith.constant 8192 : i32
      %add3A_375 = arith.addi %add3A_374, %add3A_263 : i32
      %get3A_376 = arith.index_cast %add3A_375 : i32 to index
      %get3A_377 = tpu.vector_load %arg5[%get3A_376] {strides = array<i32>} : memref<65536xf32, #tpu.memory_space<vmem>>, vector<16xf32>,
      %broadcast_in_dim3A_378 = arith.constant 8 : i32
      %broadcast_in_dim3A_379 = vector.broadcast %broadcast_in_dim3A_378 : i32 to vector<16xi32>
      %gt3A_380 = arith.cmpf ogt, %get3A_377, %select_n3A_372 : vector<16xf32>
      %gt3A_381 = arith.cmpf ogt, %get3A_377, %select_n3A_369 : vector<16xf32>
      %select_n3A_382 = arith.select %gt3A_381, %get3A_377, %select_n3A_369 : vector<16xi1>, vector<16xf32>
      %select_n3A_383 = arith.select %gt3A_380, %select_n3A_372, %select_n3A_382 : vector<16xi1>, vector<16xf32>
      %select_n3A_384 = arith.select %gt3A_381, %broadcast_in_dim3A_379, %select_n3A_371 : vector<16xi1>, vector<16xi32>
      %select_n3A_385 = arith.select %gt3A_380, %select_n3A_373, %select_n3A_384 : vector<16xi1>, vector<16xi32>
      %select_n3A_386 = arith.select %gt3A_380, %get3A_377, %select_n3A_372 : vector<16xi1>, vector<16xf32>
      %select_n3A_387 = arith.select %gt3A_380, %broadcast_in_dim3A_379, %select_n3A_373 : vector<16xi1>, vector<16xi32>
      %add3A_388 = arith.constant 8320 : i32
      %add3A_389 = arith.addi %add3A_388, %add3A_263 : i32
      %get3A_390 = arith.index_cast %add3A_389 : i32 to index
      %get3A_391 = tpu.vector_load %arg5[%get3A_390] {strides = array<i32>} : memref<65536xf32, #tpu.memory_space<vmem>>, vector<16xf32>,
      %broadcast_in_dim3A_392 = arith.constant 9 : i32
      %broadcast_in_dim3A_393 = vector.broadcast %broadcast_in_dim3A_392 : i32 to vector<16xi32>
      %gt3A_394 = arith.cmpf ogt, %get3A_391, %select_n3A_386 : vector<16xf32>
      %gt3A_395 = arith.cmpf ogt, %get3A_391, %select_n3A_383 : vector<16xf32>
      %select_n3A_396 = arith.select %gt3A_395, %get3A_391, %select_n3A_383 : vector<16xi1>, vector<16xf32>
      %select_n3A_397 = arith.select %gt3A_394, %select_n3A_386, %select_n3A_396 : vector<16xi1>, vector<16xf32>
      %select_n3A_398 = arith.select %gt3A_395, %broadcast_in_dim3A_393, %select_n3A_385 : vector<16xi1>, vector<16xi32>
      %select_n3A_399 = arith.select %gt3A_394, %select_n3A_387, %select_n3A_398 : vector<16xi1>, vector<16xi32>
      %select_n3A_400 = arith.select %gt3A_394, %get3A_391, %select_n3A_386 : vector<16xi1>, vector<16xf32>
      %select_n3A_401 = arith.select %gt3A_394, %broadcast_in_dim3A_393, %select_n3A_387 : vector<16xi1>, vector<16xi32>
      %add3A_402 = arith.constant 8448 : i32
      %add3A_403 = arith.addi %add3A_402, %add3A_263 : i32
      %get3A_404 = arith.index_cast %add3A_403 : i32 to index
      %get3A_405 = tpu.vector_load %arg5[%get3A_404] {strides = array<i32>} : memref<65536xf32, #tpu.memory_space<vmem>>, vector<16xf32>,
      %broadcast_in_dim3A_406 = arith.constant 10 : i32
      %broadcast_in_dim3A_407 = vector.broadcast %broadcast_in_dim3A_406 : i32 to vector<16xi32>
      %gt3A_408 = arith.cmpf ogt, %get3A_405, %select_n3A_400 : vector<16xf32>
      %gt3A_409 = arith.cmpf ogt, %get3A_405, %select_n3A_397 : vector<16xf32>
      %select_n3A_410 = arith.select %gt3A_409, %get3A_405, %select_n3A_397 : vector<16xi1>, vector<16xf32>
      %select_n3A_411 = arith.select %gt3A_408, %select_n3A_400, %select_n3A_410 : vector<16xi1>, vector<16xf32>
      %select_n3A_412 = arith.select %gt3A_409, %broadcast_in_dim3A_407, %select_n3A_399 : vector<16xi1>, vector<16xi32>
      %select_n3A_413 = arith.select %gt3A_408, %select_n3A_401, %select_n3A_412 : vector<16xi1>, vector<16xi32>
      %select_n3A_414 = arith.select %gt3A_408, %get3A_405, %select_n3A_400 : vector<16xi1>, vector<16xf32>
      %select_n3A_415 = arith.select %gt3A_408, %broadcast_in_dim3A_407, %select_n3A_401 : vector<16xi1>, vector<16xi32>
      %add3A_416 = arith.constant 8576 : i32
      %add3A_417 = arith.addi %add3A_416, %add3A_263 : i32
      %get3A_418 = arith.index_cast %add3A_417 : i32 to index
      %get3A_419 = tpu.vector_load %arg5[%get3A_418] {strides = array<i32>} : memref<65536xf32, #tpu.memory_space<vmem>>, vector<16xf32>,
      %broadcast_in_dim3A_420 = arith.constant 11 : i32
      %broadcast_in_dim3A_421 = vector.broadcast %broadcast_in_dim3A_420 : i32 to vector<16xi32>
      %gt3A_422 = arith.cmpf ogt, %get3A_419, %select_n3A_414 : vector<16xf32>
      %gt3A_423 = arith.cmpf ogt, %get3A_419, %select_n3A_411 : vector<16xf32>
      %select_n3A_424 = arith.select %gt3A_423, %get3A_419, %select_n3A_411 : vector<16xi1>, vector<16xf32>
      %select_n3A_425 = arith.select %gt3A_422, %select_n3A_414, %select_n3A_424 : vector<16xi1>, vector<16xf32>
      %select_n3A_426 = arith.select %gt3A_423, %broadcast_in_dim3A_421, %select_n3A_413 : vector<16xi1>, vector<16xi32>
      %select_n3A_427 = arith.select %gt3A_422, %select_n3A_415, %select_n3A_426 : vector<16xi1>, vector<16xi32>
      %select_n3A_428 = arith.select %gt3A_422, %get3A_419, %select_n3A_414 : vector<16xi1>, vector<16xf32>
      %select_n3A_429 = arith.select %gt3A_422, %broadcast_in_dim3A_421, %select_n3A_415 : vector<16xi1>, vector<16xi32>
      %add3A_430 = arith.constant 8704 : i32
      %add3A_431 = arith.addi %add3A_430, %add3A_263 : i32
      %get3A_432 = arith.index_cast %add3A_431 : i32 to index
      %get3A_433 = tpu.vector_load %arg5[%get3A_432] {strides = array<i32>} : memref<65536xf32, #tpu.memory_space<vmem>>, vector<16xf32>,
      %broadcast_in_dim3A_434 = arith.constant 12 : i32
      %broadcast_in_dim3A_435 = vector.broadcast %broadcast_in_dim3A_434 : i32 to vector<16xi32>
      %gt3A_436 = arith.cmpf ogt, %get3A_433, %select_n3A_428 : vector<16xf32>
      %gt3A_437 = arith.cmpf ogt, %get3A_433, %select_n3A_425 : vector<16xf32>
      %select_n3A_438 = arith.select %gt3A_437, %get3A_433, %select_n3A_425 : vector<16xi1>, vector<16xf32>
      %select_n3A_439 = arith.select %gt3A_436, %select_n3A_428, %select_n3A_438 : vector<16xi1>, vector<16xf32>
      %select_n3A_440 = arith.select %gt3A_437, %broadcast_in_dim3A_435, %select_n3A_427 : vector<16xi1>, vector<16xi32>
      %select_n3A_441 = arith.select %gt3A_436, %select_n3A_429, %select_n3A_440 : vector<16xi1>, vector<16xi32>
      %select_n3A_442 = arith.select %gt3A_436, %get3A_433, %select_n3A_428 : vector<16xi1>, vector<16xf32>
      %select_n3A_443 = arith.select %gt3A_436, %broadcast_in_dim3A_435, %select_n3A_429 : vector<16xi1>, vector<16xi32>
      %add3A_444 = arith.constant 8832 : i32
      %add3A_445 = arith.addi %add3A_444, %add3A_263 : i32
      %get3A_446 = arith.index_cast %add3A_445 : i32 to index
      %get3A_447 = tpu.vector_load %arg5[%get3A_446] {strides = array<i32>} : memref<65536xf32, #tpu.memory_space<vmem>>, vector<16xf32>,
      %broadcast_in_dim3A_448 = arith.constant 13 : i32
      %broadcast_in_dim3A_449 = vector.broadcast %broadcast_in_dim3A_448 : i32 to vector<16xi32>
      %gt3A_450 = arith.cmpf ogt, %get3A_447, %select_n3A_442 : vector<16xf32>
      %gt3A_451 = arith.cmpf ogt, %get3A_447, %select_n3A_439 : vector<16xf32>
      %select_n3A_452 = arith.select %gt3A_451, %get3A_447, %select_n3A_439 : vector<16xi1>, vector<16xf32>
      %select_n3A_453 = arith.select %gt3A_450, %select_n3A_442, %select_n3A_452 : vector<16xi1>, vector<16xf32>
      %select_n3A_454 = arith.select %gt3A_451, %broadcast_in_dim3A_449, %select_n3A_441 : vector<16xi1>, vector<16xi32>
      %select_n3A_455 = arith.select %gt3A_450, %select_n3A_443, %select_n3A_454 : vector<16xi1>, vector<16xi32>
      %select_n3A_456 = arith.select %gt3A_450, %get3A_447, %select_n3A_442 : vector<16xi1>, vector<16xf32>
      %select_n3A_457 = arith.select %gt3A_450, %broadcast_in_dim3A_449, %select_n3A_443 : vector<16xi1>, vector<16xi32>
      %add3A_458 = arith.constant 8960 : i32
      %add3A_459 = arith.addi %add3A_458, %add3A_263 : i32
      %get3A_460 = arith.index_cast %add3A_459 : i32 to index
      %get3A_461 = tpu.vector_load %arg5[%get3A_460] {strides = array<i32>} : memref<65536xf32, #tpu.memory_space<vmem>>, vector<16xf32>,
      %broadcast_in_dim3A_462 = arith.constant 14 : i32
      %broadcast_in_dim3A_463 = vector.broadcast %broadcast_in_dim3A_462 : i32 to vector<16xi32>
      %gt3A_464 = arith.cmpf ogt, %get3A_461, %select_n3A_456 : vector<16xf32>
      %gt3A_465 = arith.cmpf ogt, %get3A_461, %select_n3A_453 : vector<16xf32>
      %select_n3A_466 = arith.select %gt3A_465, %get3A_461, %select_n3A_453 : vector<16xi1>, vector<16xf32>
      %select_n3A_467 = arith.select %gt3A_464, %select_n3A_456, %select_n3A_466 : vector<16xi1>, vector<16xf32>
      %select_n3A_468 = arith.select %gt3A_465, %broadcast_in_dim3A_463, %select_n3A_455 : vector<16xi1>, vector<16xi32>
      %select_n3A_469 = arith.select %gt3A_464, %select_n3A_457, %select_n3A_468 : vector<16xi1>, vector<16xi32>
      %select_n3A_470 = arith.select %gt3A_464, %get3A_461, %select_n3A_456 : vector<16xi1>, vector<16xf32>
      %select_n3A_471 = arith.select %gt3A_464, %broadcast_in_dim3A_463, %select_n3A_457 : vector<16xi1>, vector<16xi32>
      %add3A_472 = arith.constant 9088 : i32
      %add3A_473 = arith.addi %add3A_472, %add3A_263 : i32
      %get3A_474 = arith.index_cast %add3A_473 : i32 to index
      %get3A_475 = tpu.vector_load %arg5[%get3A_474] {strides = array<i32>} : memref<65536xf32, #tpu.memory_space<vmem>>, vector<16xf32>,
      %broadcast_in_dim3A_476 = arith.constant 15 : i32
      %broadcast_in_dim3A_477 = vector.broadcast %broadcast_in_dim3A_476 : i32 to vector<16xi32>
      %gt3A_478 = arith.cmpf ogt, %get3A_475, %select_n3A_470 : vector<16xf32>
      %gt3A_479 = arith.cmpf ogt, %get3A_475, %select_n3A_467 : vector<16xf32>
      %select_n3A_480 = arith.select %gt3A_479, %get3A_475, %select_n3A_467 : vector<16xi1>, vector<16xf32>
      %select_n3A_481 = arith.select %gt3A_478, %select_n3A_470, %select_n3A_480 : vector<16xi1>, vector<16xf32>
      %select_n3A_482 = arith.select %gt3A_479, %broadcast_in_dim3A_477, %select_n3A_469 : vector<16xi1>, vector<16xi32>
      %select_n3A_483 = arith.select %gt3A_478, %select_n3A_471, %select_n3A_482 : vector<16xi1>, vector<16xi32>
      %select_n3A_484 = arith.select %gt3A_478, %get3A_475, %select_n3A_470 : vector<16xi1>, vector<16xf32>
      %select_n3A_485 = arith.select %gt3A_478, %broadcast_in_dim3A_477, %select_n3A_471 : vector<16xi1>, vector<16xi32>
      %add3A_486 = arith.constant 16384 : i32
      %add3A_487 = arith.addi %add3A_486, %add3A_263 : i32
      %get3A_488 = arith.index_cast %add3A_487 : i32 to index
      %get3A_489 = tpu.vector_load %arg5[%get3A_488] {strides = array<i32>} : memref<65536xf32, #tpu.memory_space<vmem>>, vector<16xf32>,
      %broadcast_in_dim3A_490 = arith.constant 16 : i32
      %broadcast_in_dim3A_491 = vector.broadcast %broadcast_in_dim3A_490 : i32 to vector<16xi32>
      %gt3A_492 = arith.cmpf ogt, %get3A_489, %broadcast_in_dim3A_207 : vector<16xf32>
      %gt3A_493 = arith.cmpf ogt, %get3A_489, %broadcast_in_dim3A_207 : vector<16xf32>
      %select_n3A_494 = arith.select %gt3A_493, %get3A_489, %broadcast_in_dim3A_207 : vector<16xi1>, vector<16xf32>
      %select_n3A_495 = arith.select %gt3A_492, %broadcast_in_dim3A_207, %select_n3A_494 : vector<16xi1>, vector<16xf32>
      %select_n3A_496 = arith.select %gt3A_493, %broadcast_in_dim3A_491, %broadcast_in_dim3A_209 : vector<16xi1>, vector<16xi32>
      %select_n3A_497 = arith.select %gt3A_492, %broadcast_in_dim3A_209, %select_n3A_496 : vector<16xi1>, vector<16xi32>
      %select_n3A_498 = arith.select %gt3A_492, %get3A_489, %broadcast_in_dim3A_207 : vector<16xi1>, vector<16xf32>
      %select_n3A_499 = arith.select %gt3A_492, %broadcast_in_dim3A_491, %broadcast_in_dim3A_209 : vector<16xi1>, vector<16xi32>
      %add3A_500 = arith.constant 16512 : i32
      %add3A_501 = arith.addi %add3A_500, %add3A_263 : i32
      %get3A_502 = arith.index_cast %add3A_501 : i32 to index
      %get3A_503 = tpu.vector_load %arg5[%get3A_502] {strides = array<i32>} : memref<65536xf32, #tpu.memory_space<vmem>>, vector<16xf32>,
      %broadcast_in_dim3A_504 = arith.constant 17 : i32
      %broadcast_in_dim3A_505 = vector.broadcast %broadcast_in_dim3A_504 : i32 to vector<16xi32>
      %gt3A_506 = arith.cmpf ogt, %get3A_503, %select_n3A_498 : vector<16xf32>
      %gt3A_507 = arith.cmpf ogt, %get3A_503, %select_n3A_495 : vector<16xf32>
      %select_n3A_508 = arith.select %gt3A_507, %get3A_503, %select_n3A_495 : vector<16xi1>, vector<16xf32>
      %select_n3A_509 = arith.select %gt3A_506, %select_n3A_498, %select_n3A_508 : vector<16xi1>, vector<16xf32>
      %select_n3A_510 = arith.select %gt3A_507, %broadcast_in_dim3A_505, %select_n3A_497 : vector<16xi1>, vector<16xi32>
      %select_n3A_511 = arith.select %gt3A_506, %select_n3A_499, %select_n3A_510 : vector<16xi1>, vector<16xi32>
      %select_n3A_512 = arith.select %gt3A_506, %get3A_503, %select_n3A_498 : vector<16xi1>, vector<16xf32>
      %select_n3A_513 = arith.select %gt3A_506, %broadcast_in_dim3A_505, %select_n3A_499 : vector<16xi1>, vector<16xi32>
      %add3A_514 = arith.constant 16640 : i32
      %add3A_515 = arith.addi %add3A_514, %add3A_263 : i32
      %get3A_516 = arith.index_cast %add3A_515 : i32 to index
      %get3A_517 = tpu.vector_load %arg5[%get3A_516] {strides = array<i32>} : memref<65536xf32, #tpu.memory_space<vmem>>, vector<16xf32>,
      %broadcast_in_dim3A_518 = arith.constant 18 : i32
      %broadcast_in_dim3A_519 = vector.broadcast %broadcast_in_dim3A_518 : i32 to vector<16xi32>
      %gt3A_520 = arith.cmpf ogt, %get3A_517, %select_n3A_512 : vector<16xf32>
      %gt3A_521 = arith.cmpf ogt, %get3A_517, %select_n3A_509 : vector<16xf32>
      %select_n3A_522 = arith.select %gt3A_521, %get3A_517, %select_n3A_509 : vector<16xi1>, vector<16xf32>
      %select_n3A_523 = arith.select %gt3A_520, %select_n3A_512, %select_n3A_522 : vector<16xi1>, vector<16xf32>
      %select_n3A_524 = arith.select %gt3A_521, %broadcast_in_dim3A_519, %select_n3A_511 : vector<16xi1>, vector<16xi32>
      %select_n3A_525 = arith.select %gt3A_520, %select_n3A_513, %select_n3A_524 : vector<16xi1>, vector<16xi32>
      %select_n3A_526 = arith.select %gt3A_520, %get3A_517, %select_n3A_512 : vector<16xi1>, vector<16xf32>
      %select_n3A_527 = arith.select %gt3A_520, %broadcast_in_dim3A_519, %select_n3A_513 : vector<16xi1>, vector<16xi32>
      %add3A_528 = arith.constant 16768 : i32
      %add3A_529 = arith.addi %add3A_528, %add3A_263 : i32
      %get3A_530 = arith.index_cast %add3A_529 : i32 to index
      %get3A_531 = tpu.vector_load %arg5[%get3A_530] {strides = array<i32>} : memref<65536xf32, #tpu.memory_space<vmem>>, vector<16xf32>,
      %broadcast_in_dim3A_532 = arith.constant 19 : i32
      %broadcast_in_dim3A_533 = vector.broadcast %broadcast_in_dim3A_532 : i32 to vector<16xi32>
      %gt3A_534 = arith.cmpf ogt, %get3A_531, %select_n3A_526 : vector<16xf32>
      %gt3A_535 = arith.cmpf ogt, %get3A_531, %select_n3A_523 : vector<16xf32>
      %select_n3A_536 = arith.select %gt3A_535, %get3A_531, %select_n3A_523 : vector<16xi1>, vector<16xf32>
      %select_n3A_537 = arith.select %gt3A_534, %select_n3A_526, %select_n3A_536 : vector<16xi1>, vector<16xf32>
      %select_n3A_538 = arith.select %gt3A_535, %broadcast_in_dim3A_533, %select_n3A_525 : vector<16xi1>, vector<16xi32>
      %select_n3A_539 = arith.select %gt3A_534, %select_n3A_527, %select_n3A_538 : vector<16xi1>, vector<16xi32>
      %select_n3A_540 = arith.select %gt3A_534, %get3A_531, %select_n3A_526 : vector<16xi1>, vector<16xf32>
      %select_n3A_541 = arith.select %gt3A_534, %broadcast_in_dim3A_533, %select_n3A_527 : vector<16xi1>, vector<16xi32>
      %add3A_542 = arith.constant 16896 : i32
      %add3A_543 = arith.addi %add3A_542, %add3A_263 : i32
      %get3A_544 = arith.index_cast %add3A_543 : i32 to index
      %get3A_545 = tpu.vector_load %arg5[%get3A_544] {strides = array<i32>} : memref<65536xf32, #tpu.memory_space<vmem>>, vector<16xf32>,
      %broadcast_in_dim3A_546 = arith.constant 20 : i32
      %broadcast_in_dim3A_547 = vector.broadcast %broadcast_in_dim3A_546 : i32 to vector<16xi32>
      %gt3A_548 = arith.cmpf ogt, %get3A_545, %select_n3A_540 : vector<16xf32>
      %gt3A_549 = arith.cmpf ogt, %get3A_545, %select_n3A_537 : vector<16xf32>
      %select_n3A_550 = arith.select %gt3A_549, %get3A_545, %select_n3A_537 : vector<16xi1>, vector<16xf32>
      %select_n3A_551 = arith.select %gt3A_548, %select_n3A_540, %select_n3A_550 : vector<16xi1>, vector<16xf32>
      %select_n3A_552 = arith.select %gt3A_549, %broadcast_in_dim3A_547, %select_n3A_539 : vector<16xi1>, vector<16xi32>
      %select_n3A_553 = arith.select %gt3A_548, %select_n3A_541, %select_n3A_552 : vector<16xi1>, vector<16xi32>
      %select_n3A_554 = arith.select %gt3A_548, %get3A_545, %select_n3A_540 : vector<16xi1>, vector<16xf32>
      %select_n3A_555 = arith.select %gt3A_548, %broadcast_in_dim3A_547, %select_n3A_541 : vector<16xi1>, vector<16xi32>
      %add3A_556 = arith.constant 17024 : i32
      %add3A_557 = arith.addi %add3A_556, %add3A_263 : i32
      %get3A_558 = arith.index_cast %add3A_557 : i32 to index
      %get3A_559 = tpu.vector_load %arg5[%get3A_558] {strides = array<i32>} : memref<65536xf32, #tpu.memory_space<vmem>>, vector<16xf32>,
      %broadcast_in_dim3A_560 = arith.constant 21 : i32
      %broadcast_in_dim3A_561 = vector.broadcast %broadcast_in_dim3A_560 : i32 to vector<16xi32>
      %gt3A_562 = arith.cmpf ogt, %get3A_559, %select_n3A_554 : vector<16xf32>
      %gt3A_563 = arith.cmpf ogt, %get3A_559, %select_n3A_551 : vector<16xf32>
      %select_n3A_564 = arith.select %gt3A_563, %get3A_559, %select_n3A_551 : vector<16xi1>, vector<16xf32>
      %select_n3A_565 = arith.select %gt3A_562, %select_n3A_554, %select_n3A_564 : vector<16xi1>, vector<16xf32>
      %select_n3A_566 = arith.select %gt3A_563, %broadcast_in_dim3A_561, %select_n3A_553 : vector<16xi1>, vector<16xi32>
      %select_n3A_567 = arith.select %gt3A_562, %select_n3A_555, %select_n3A_566 : vector<16xi1>, vector<16xi32>
      %select_n3A_568 = arith.select %gt3A_562, %get3A_559, %select_n3A_554 : vector<16xi1>, vector<16xf32>
      %select_n3A_569 = arith.select %gt3A_562, %broadcast_in_dim3A_561, %select_n3A_555 : vector<16xi1>, vector<16xi32>
      %add3A_570 = arith.constant 17152 : i32
      %add3A_571 = arith.addi %add3A_570, %add3A_263 : i32
      %get3A_572 = arith.index_cast %add3A_571 : i32 to index
      %get3A_573 = tpu.vector_load %arg5[%get3A_572] {strides = array<i32>} : memref<65536xf32, #tpu.memory_space<vmem>>, vector<16xf32>,
      %broadcast_in_dim3A_574 = arith.constant 22 : i32
      %broadcast_in_dim3A_575 = vector.broadcast %broadcast_in_dim3A_574 : i32 to vector<16xi32>
      %gt3A_576 = arith.cmpf ogt, %get3A_573, %select_n3A_568 : vector<16xf32>
      %gt3A_577 = arith.cmpf ogt, %get3A_573, %select_n3A_565 : vector<16xf32>
      %select_n3A_578 = arith.select %gt3A_577, %get3A_573, %select_n3A_565 : vector<16xi1>, vector<16xf32>
      %select_n3A_579 = arith.select %gt3A_576, %select_n3A_568, %select_n3A_578 : vector<16xi1>, vector<16xf32>
      %select_n3A_580 = arith.select %gt3A_577, %broadcast_in_dim3A_575, %select_n3A_567 : vector<16xi1>, vector<16xi32>
      %select_n3A_581 = arith.select %gt3A_576, %select_n3A_569, %select_n3A_580 : vector<16xi1>, vector<16xi32>
      %select_n3A_582 = arith.select %gt3A_576, %get3A_573, %select_n3A_568 : vector<16xi1>, vector<16xf32>
      %select_n3A_583 = arith.select %gt3A_576, %broadcast_in_dim3A_575, %select_n3A_569 : vector<16xi1>, vector<16xi32>
      %add3A_584 = arith.constant 17280 : i32
      %add3A_585 = arith.addi %add3A_584, %add3A_263 : i32
      %get3A_586 = arith.index_cast %add3A_585 : i32 to index
      %get3A_587 = tpu.vector_load %arg5[%get3A_586] {strides = array<i32>} : memref<65536xf32, #tpu.memory_space<vmem>>, vector<16xf32>,
      %broadcast_in_dim3A_588 = arith.constant 23 : i32
      %broadcast_in_dim3A_589 = vector.broadcast %broadcast_in_dim3A_588 : i32 to vector<16xi32>
      %gt3A_590 = arith.cmpf ogt, %get3A_587, %select_n3A_582 : vector<16xf32>
      %gt3A_591 = arith.cmpf ogt, %get3A_587, %select_n3A_579 : vector<16xf32>
      %select_n3A_592 = arith.select %gt3A_591, %get3A_587, %select_n3A_579 : vector<16xi1>, vector<16xf32>
      %select_n3A_593 = arith.select %gt3A_590, %select_n3A_582, %select_n3A_592 : vector<16xi1>, vector<16xf32>
      %select_n3A_594 = arith.select %gt3A_591, %broadcast_in_dim3A_589, %select_n3A_581 : vector<16xi1>, vector<16xi32>
      %select_n3A_595 = arith.select %gt3A_590, %select_n3A_583, %select_n3A_594 : vector<16xi1>, vector<16xi32>
      %select_n3A_596 = arith.select %gt3A_590, %get3A_587, %select_n3A_582 : vector<16xi1>, vector<16xf32>
      %select_n3A_597 = arith.select %gt3A_590, %broadcast_in_dim3A_589, %select_n3A_583 : vector<16xi1>, vector<16xi32>
      %add3A_598 = arith.constant 24576 : i32
      %add3A_599 = arith.addi %add3A_598, %add3A_263 : i32
      %get3A_600 = arith.index_cast %add3A_599 : i32 to index
      %get3A_601 = tpu.vector_load %arg5[%get3A_600] {strides = array<i32>} : memref<65536xf32, #tpu.memory_space<vmem>>, vector<16xf32>,
      %broadcast_in_dim3A_602 = arith.constant 24 : i32
      %broadcast_in_dim3A_603 = vector.broadcast %broadcast_in_dim3A_602 : i32 to vector<16xi32>
      %gt3A_604 = arith.cmpf ogt, %get3A_601, %select_n3A_596 : vector<16xf32>
      %gt3A_605 = arith.cmpf ogt, %get3A_601, %select_n3A_593 : vector<16xf32>
      %select_n3A_606 = arith.select %gt3A_605, %get3A_601, %select_n3A_593 : vector<16xi1>, vector<16xf32>
      %select_n3A_607 = arith.select %gt3A_604, %select_n3A_596, %select_n3A_606 : vector<16xi1>, vector<16xf32>
      %select_n3A_608 = arith.select %gt3A_605, %broadcast_in_dim3A_603, %select_n3A_595 : vector<16xi1>, vector<16xi32>
      %select_n3A_609 = arith.select %gt3A_604, %select_n3A_597, %select_n3A_608 : vector<16xi1>, vector<16xi32>
      %select_n3A_610 = arith.select %gt3A_604, %get3A_601, %select_n3A_596 : vector<16xi1>, vector<16xf32>
      %select_n3A_611 = arith.select %gt3A_604, %broadcast_in_dim3A_603, %select_n3A_597 : vector<16xi1>, vector<16xi32>
      %add3A_612 = arith.constant 24704 : i32
      %add3A_613 = arith.addi %add3A_612, %add3A_263 : i32
      %get3A_614 = arith.index_cast %add3A_613 : i32 to index
      %get3A_615 = tpu.vector_load %arg5[%get3A_614] {strides = array<i32>} : memref<65536xf32, #tpu.memory_space<vmem>>, vector<16xf32>,
      %broadcast_in_dim3A_616 = arith.constant 25 : i32
      %broadcast_in_dim3A_617 = vector.broadcast %broadcast_in_dim3A_616 : i32 to vector<16xi32>
      %gt3A_618 = arith.cmpf ogt, %get3A_615, %select_n3A_610 : vector<16xf32>
      %gt3A_619 = arith.cmpf ogt, %get3A_615, %select_n3A_607 : vector<16xf32>
      %select_n3A_620 = arith.select %gt3A_619, %get3A_615, %select_n3A_607 : vector<16xi1>, vector<16xf32>
      %select_n3A_621 = arith.select %gt3A_618, %select_n3A_610, %select_n3A_620 : vector<16xi1>, vector<16xf32>
      %select_n3A_622 = arith.select %gt3A_619, %broadcast_in_dim3A_617, %select_n3A_609 : vector<16xi1>, vector<16xi32>
      %select_n3A_623 = arith.select %gt3A_618, %select_n3A_611, %select_n3A_622 : vector<16xi1>, vector<16xi32>
      %select_n3A_624 = arith.select %gt3A_618, %get3A_615, %select_n3A_610 : vector<16xi1>, vector<16xf32>
      %select_n3A_625 = arith.select %gt3A_618, %broadcast_in_dim3A_617, %select_n3A_611 : vector<16xi1>, vector<16xi32>
      %add3A_626 = arith.constant 24832 : i32
      %add3A_627 = arith.addi %add3A_626, %add3A_263 : i32
      %get3A_628 = arith.index_cast %add3A_627 : i32 to index
      %get3A_629 = tpu.vector_load %arg5[%get3A_628] {strides = array<i32>} : memref<65536xf32, #tpu.memory_space<vmem>>, vector<16xf32>,
      %broadcast_in_dim3A_630 = arith.constant 26 : i32
      %broadcast_in_dim3A_631 = vector.broadcast %broadcast_in_dim3A_630 : i32 to vector<16xi32>
      %gt3A_632 = arith.cmpf ogt, %get3A_629, %select_n3A_624 : vector<16xf32>
      %gt3A_633 = arith.cmpf ogt, %get3A_629, %select_n3A_621 : vector<16xf32>
      %select_n3A_634 = arith.select %gt3A_633, %get3A_629, %select_n3A_621 : vector<16xi1>, vector<16xf32>
      %select_n3A_635 = arith.select %gt3A_632, %select_n3A_624, %select_n3A_634 : vector<16xi1>, vector<16xf32>
      %select_n3A_636 = arith.select %gt3A_633, %broadcast_in_dim3A_631, %select_n3A_623 : vector<16xi1>, vector<16xi32>
      %select_n3A_637 = arith.select %gt3A_632, %select_n3A_625, %select_n3A_636 : vector<16xi1>, vector<16xi32>
      %select_n3A_638 = arith.select %gt3A_632, %get3A_629, %select_n3A_624 : vector<16xi1>, vector<16xf32>
      %select_n3A_639 = arith.select %gt3A_632, %broadcast_in_dim3A_631, %select_n3A_625 : vector<16xi1>, vector<16xi32>
      %add3A_640 = arith.constant 24960 : i32
      %add3A_641 = arith.addi %add3A_640, %add3A_263 : i32
      %get3A_642 = arith.index_cast %add3A_641 : i32 to index
      %get3A_643 = tpu.vector_load %arg5[%get3A_642] {strides = array<i32>} : memref<65536xf32, #tpu.memory_space<vmem>>, vector<16xf32>,
      %broadcast_in_dim3A_644 = arith.constant 27 : i32
      %broadcast_in_dim3A_645 = vector.broadcast %broadcast_in_dim3A_644 : i32 to vector<16xi32>
      %gt3A_646 = arith.cmpf ogt, %get3A_643, %select_n3A_638 : vector<16xf32>
      %gt3A_647 = arith.cmpf ogt, %get3A_643, %select_n3A_635 : vector<16xf32>
      %select_n3A_648 = arith.select %gt3A_647, %get3A_643, %select_n3A_635 : vector<16xi1>, vector<16xf32>
      %select_n3A_649 = arith.select %gt3A_646, %select_n3A_638, %select_n3A_648 : vector<16xi1>, vector<16xf32>
      %select_n3A_650 = arith.select %gt3A_647, %broadcast_in_dim3A_645, %select_n3A_637 : vector<16xi1>, vector<16xi32>
      %select_n3A_651 = arith.select %gt3A_646, %select_n3A_639, %select_n3A_650 : vector<16xi1>, vector<16xi32>
      %select_n3A_652 = arith.select %gt3A_646, %get3A_643, %select_n3A_638 : vector<16xi1>, vector<16xf32>
      %select_n3A_653 = arith.select %gt3A_646, %broadcast_in_dim3A_645, %select_n3A_639 : vector<16xi1>, vector<16xi32>
      %add3A_654 = arith.constant 25088 : i32
      %add3A_655 = arith.addi %add3A_654, %add3A_263 : i32
      %get3A_656 = arith.index_cast %add3A_655 : i32 to index
      %get3A_657 = tpu.vector_load %arg5[%get3A_656] {strides = array<i32>} : memref<65536xf32, #tpu.memory_space<vmem>>, vector<16xf32>,
      %broadcast_in_dim3A_658 = arith.constant 28 : i32
      %broadcast_in_dim3A_659 = vector.broadcast %broadcast_in_dim3A_658 : i32 to vector<16xi32>
      %gt3A_660 = arith.cmpf ogt, %get3A_657, %select_n3A_652 : vector<16xf32>
      %gt3A_661 = arith.cmpf ogt, %get3A_657, %select_n3A_649 : vector<16xf32>
      %select_n3A_662 = arith.select %gt3A_661, %get3A_657, %select_n3A_649 : vector<16xi1>, vector<16xf32>
      %select_n3A_663 = arith.select %gt3A_660, %select_n3A_652, %select_n3A_662 : vector<16xi1>, vector<16xf32>
      %select_n3A_664 = arith.select %gt3A_661, %broadcast_in_dim3A_659, %select_n3A_651 : vector<16xi1>, vector<16xi32>
      %select_n3A_665 = arith.select %gt3A_660, %select_n3A_653, %select_n3A_664 : vector<16xi1>, vector<16xi32>
      %select_n3A_666 = arith.select %gt3A_660, %get3A_657, %select_n3A_652 : vector<16xi1>, vector<16xf32>
      %select_n3A_667 = arith.select %gt3A_660, %broadcast_in_dim3A_659, %select_n3A_653 : vector<16xi1>, vector<16xi32>
      %add3A_668 = arith.constant 25216 : i32
      %add3A_669 = arith.addi %add3A_668, %add3A_263 : i32
      %get3A_670 = arith.index_cast %add3A_669 : i32 to index
      %get3A_671 = tpu.vector_load %arg5[%get3A_670] {strides = array<i32>} : memref<65536xf32, #tpu.memory_space<vmem>>, vector<16xf32>,
      %broadcast_in_dim3A_672 = arith.constant 29 : i32
      %broadcast_in_dim3A_673 = vector.broadcast %broadcast_in_dim3A_672 : i32 to vector<16xi32>
      %gt3A_674 = arith.cmpf ogt, %get3A_671, %select_n3A_666 : vector<16xf32>
      %gt3A_675 = arith.cmpf ogt, %get3A_671, %select_n3A_663 : vector<16xf32>
      %select_n3A_676 = arith.select %gt3A_675, %get3A_671, %select_n3A_663 : vector<16xi1>, vector<16xf32>
      %select_n3A_677 = arith.select %gt3A_674, %select_n3A_666, %select_n3A_676 : vector<16xi1>, vector<16xf32>
      %select_n3A_678 = arith.select %gt3A_675, %broadcast_in_dim3A_673, %select_n3A_665 : vector<16xi1>, vector<16xi32>
      %select_n3A_679 = arith.select %gt3A_674, %select_n3A_667, %select_n3A_678 : vector<16xi1>, vector<16xi32>
      %select_n3A_680 = arith.select %gt3A_674, %get3A_671, %select_n3A_666 : vector<16xi1>, vector<16xf32>
      %select_n3A_681 = arith.select %gt3A_674, %broadcast_in_dim3A_673, %select_n3A_667 : vector<16xi1>, vector<16xi32>
      %add3A_682 = arith.constant 25344 : i32
      %add3A_683 = arith.addi %add3A_682, %add3A_263 : i32
      %get3A_684 = arith.index_cast %add3A_683 : i32 to index
      %get3A_685 = tpu.vector_load %arg5[%get3A_684] {strides = array<i32>} : memref<65536xf32, #tpu.memory_space<vmem>>, vector<16xf32>,
      %broadcast_in_dim3A_686 = arith.constant 30 : i32
      %broadcast_in_dim3A_687 = vector.broadcast %broadcast_in_dim3A_686 : i32 to vector<16xi32>
      %gt3A_688 = arith.cmpf ogt, %get3A_685, %select_n3A_680 : vector<16xf32>
      %gt3A_689 = arith.cmpf ogt, %get3A_685, %select_n3A_677 : vector<16xf32>
      %select_n3A_690 = arith.select %gt3A_689, %get3A_685, %select_n3A_677 : vector<16xi1>, vector<16xf32>
      %select_n3A_691 = arith.select %gt3A_688, %select_n3A_680, %select_n3A_690 : vector<16xi1>, vector<16xf32>
      %select_n3A_692 = arith.select %gt3A_689, %broadcast_in_dim3A_687, %select_n3A_679 : vector<16xi1>, vector<16xi32>
      %select_n3A_693 = arith.select %gt3A_688, %select_n3A_681, %select_n3A_692 : vector<16xi1>, vector<16xi32>
      %select_n3A_694 = arith.select %gt3A_688, %get3A_685, %select_n3A_680 : vector<16xi1>, vector<16xf32>
      %select_n3A_695 = arith.select %gt3A_688, %broadcast_in_dim3A_687, %select_n3A_681 : vector<16xi1>, vector<16xi32>
      %add3A_696 = arith.constant 25472 : i32
      %add3A_697 = arith.addi %add3A_696, %add3A_263 : i32
      %get3A_698 = arith.index_cast %add3A_697 : i32 to index
      %get3A_699 = tpu.vector_load %arg5[%get3A_698] {strides = array<i32>} : memref<65536xf32, #tpu.memory_space<vmem>>, vector<16xf32>,
      %broadcast_in_dim3A_700 = arith.constant 31 : i32
      %broadcast_in_dim3A_701 = vector.broadcast %broadcast_in_dim3A_700 : i32 to vector<16xi32>
      %gt3A_702 = arith.cmpf ogt, %get3A_699, %select_n3A_694 : vector<16xf32>
      %gt3A_703 = arith.cmpf ogt, %get3A_699, %select_n3A_691 : vector<16xf32>
      %select_n3A_704 = arith.select %gt3A_703, %get3A_699, %select_n3A_691 : vector<16xi1>, vector<16xf32>
      %select_n3A_705 = arith.select %gt3A_702, %select_n3A_694, %select_n3A_704 : vector<16xi1>, vector<16xf32>
      %select_n3A_706 = arith.select %gt3A_703, %broadcast_in_dim3A_701, %select_n3A_693 : vector<16xi1>, vector<16xi32>
      %select_n3A_707 = arith.select %gt3A_702, %select_n3A_695, %select_n3A_706 : vector<16xi1>, vector<16xi32>
      %select_n3A_708 = arith.select %gt3A_702, %get3A_699, %select_n3A_694 : vector<16xi1>, vector<16xf32>
      %select_n3A_709 = arith.select %gt3A_702, %broadcast_in_dim3A_701, %select_n3A_695 : vector<16xi1>, vector<16xi32>
      %add3A_710 = arith.constant 32768 : i32
      %add3A_711 = arith.addi %add3A_710, %add3A_263 : i32
      %get3A_712 = arith.index_cast %add3A_711 : i32 to index
      %get3A_713 = tpu.vector_load %arg5[%get3A_712] {strides = array<i32>} : memref<65536xf32, #tpu.memory_space<vmem>>, vector<16xf32>,
      %broadcast_in_dim3A_714 = arith.constant 32 : i32
      %broadcast_in_dim3A_715 = vector.broadcast %broadcast_in_dim3A_714 : i32 to vector<16xi32>
      %gt3A_716 = arith.cmpf ogt, %get3A_713, %broadcast_in_dim3A_207 : vector<16xf32>
      %gt3A_717 = arith.cmpf ogt, %get3A_713, %broadcast_in_dim3A_207 : vector<16xf32>
      %select_n3A_718 = arith.select %gt3A_717, %get3A_713, %broadcast_in_dim3A_207 : vector<16xi1>, vector<16xf32>
      %select_n3A_719 = arith.select %gt3A_716, %broadcast_in_dim3A_207, %select_n3A_718 : vector<16xi1>, vector<16xf32>
      %select_n3A_720 = arith.select %gt3A_717, %broadcast_in_dim3A_715, %broadcast_in_dim3A_209 : vector<16xi1>, vector<16xi32>
      %select_n3A_721 = arith.select %gt3A_716, %broadcast_in_dim3A_209, %select_n3A_720 : vector<16xi1>, vector<16xi32>
      %select_n3A_722 = arith.select %gt3A_716, %get3A_713, %broadcast_in_dim3A_207 : vector<16xi1>, vector<16xf32>
      %select_n3A_723 = arith.select %gt3A_716, %broadcast_in_dim3A_715, %broadcast_in_dim3A_209 : vector<16xi1>, vector<16xi32>
      %add3A_724 = arith.constant 32896 : i32
      %add3A_725 = arith.addi %add3A_724, %add3A_263 : i32
      %get3A_726 = arith.index_cast %add3A_725 : i32 to index
      %get3A_727 = tpu.vector_load %arg5[%get3A_726] {strides = array<i32>} : memref<65536xf32, #tpu.memory_space<vmem>>, vector<16xf32>,
      %broadcast_in_dim3A_728 = arith.constant 33 : i32
      %broadcast_in_dim3A_729 = vector.broadcast %broadcast_in_dim3A_728 : i32 to vector<16xi32>
      %gt3A_730 = arith.cmpf ogt, %get3A_727, %select_n3A_722 : vector<16xf32>
      %gt3A_731 = arith.cmpf ogt, %get3A_727, %select_n3A_719 : vector<16xf32>
      %select_n3A_732 = arith.select %gt3A_731, %get3A_727, %select_n3A_719 : vector<16xi1>, vector<16xf32>
      %select_n3A_733 = arith.select %gt3A_730, %select_n3A_722, %select_n3A_732 : vector<16xi1>, vector<16xf32>
      %select_n3A_734 = arith.select %gt3A_731, %broadcast_in_dim3A_729, %select_n3A_721 : vector<16xi1>, vector<16xi32>
      %select_n3A_735 = arith.select %gt3A_730, %select_n3A_723, %select_n3A_734 : vector<16xi1>, vector<16xi32>
      %select_n3A_736 = arith.select %gt3A_730, %get3A_727, %select_n3A_722 : vector<16xi1>, vector<16xf32>
      %select_n3A_737 = arith.select %gt3A_730, %broadcast_in_dim3A_729, %select_n3A_723 : vector<16xi1>, vector<16xi32>
      %add3A_738 = arith.constant 33024 : i32
      %add3A_739 = arith.addi %add3A_738, %add3A_263 : i32
      %get3A_740 = arith.index_cast %add3A_739 : i32 to index
      %get3A_741 = tpu.vector_load %arg5[%get3A_740] {strides = array<i32>} : memref<65536xf32, #tpu.memory_space<vmem>>, vector<16xf32>,
      %broadcast_in_dim3A_742 = arith.constant 34 : i32
      %broadcast_in_dim3A_743 = vector.broadcast %broadcast_in_dim3A_742 : i32 to vector<16xi32>
      %gt3A_744 = arith.cmpf ogt, %get3A_741, %select_n3A_736 : vector<16xf32>
      %gt3A_745 = arith.cmpf ogt, %get3A_741, %select_n3A_733 : vector<16xf32>
      %select_n3A_746 = arith.select %gt3A_745, %get3A_741, %select_n3A_733 : vector<16xi1>, vector<16xf32>
      %select_n3A_747 = arith.select %gt3A_744, %select_n3A_736, %select_n3A_746 : vector<16xi1>, vector<16xf32>
      %select_n3A_748 = arith.select %gt3A_745, %broadcast_in_dim3A_743, %select_n3A_735 : vector<16xi1>, vector<16xi32>
      %select_n3A_749 = arith.select %gt3A_744, %select_n3A_737, %select_n3A_748 : vector<16xi1>, vector<16xi32>
      %select_n3A_750 = arith.select %gt3A_744, %get3A_741, %select_n3A_736 : vector<16xi1>, vector<16xf32>
      %select_n3A_751 = arith.select %gt3A_744, %broadcast_in_dim3A_743, %select_n3A_737 : vector<16xi1>, vector<16xi32>
      %add3A_752 = arith.constant 33152 : i32
      %add3A_753 = arith.addi %add3A_752, %add3A_263 : i32
      %get3A_754 = arith.index_cast %add3A_753 : i32 to index
      %get3A_755 = tpu.vector_load %arg5[%get3A_754] {strides = array<i32>} : memref<65536xf32, #tpu.memory_space<vmem>>, vector<16xf32>,
      %broadcast_in_dim3A_756 = arith.constant 35 : i32
      %broadcast_in_dim3A_757 = vector.broadcast %broadcast_in_dim3A_756 : i32 to vector<16xi32>
      %gt3A_758 = arith.cmpf ogt, %get3A_755, %select_n3A_750 : vector<16xf32>
      %gt3A_759 = arith.cmpf ogt, %get3A_755, %select_n3A_747 : vector<16xf32>
      %select_n3A_760 = arith.select %gt3A_759, %get3A_755, %select_n3A_747 : vector<16xi1>, vector<16xf32>
      %select_n3A_761 = arith.select %gt3A_758, %select_n3A_750, %select_n3A_760 : vector<16xi1>, vector<16xf32>
      %select_n3A_762 = arith.select %gt3A_759, %broadcast_in_dim3A_757, %select_n3A_749 : vector<16xi1>, vector<16xi32>
      %select_n3A_763 = arith.select %gt3A_758, %select_n3A_751, %select_n3A_762 : vector<16xi1>, vector<16xi32>
      %select_n3A_764 = arith.select %gt3A_758, %get3A_755, %select_n3A_750 : vector<16xi1>, vector<16xf32>
      %select_n3A_765 = arith.select %gt3A_758, %broadcast_in_dim3A_757, %select_n3A_751 : vector<16xi1>, vector<16xi32>
      %add3A_766 = arith.constant 33280 : i32
      %add3A_767 = arith.addi %add3A_766, %add3A_263 : i32
      %get3A_768 = arith.index_cast %add3A_767 : i32 to index
      %get3A_769 = tpu.vector_load %arg5[%get3A_768] {strides = array<i32>} : memref<65536xf32, #tpu.memory_space<vmem>>, vector<16xf32>,
      %broadcast_in_dim3A_770 = arith.constant 36 : i32
      %broadcast_in_dim3A_771 = vector.broadcast %broadcast_in_dim3A_770 : i32 to vector<16xi32>
      %gt3A_772 = arith.cmpf ogt, %get3A_769, %select_n3A_764 : vector<16xf32>
      %gt3A_773 = arith.cmpf ogt, %get3A_769, %select_n3A_761 : vector<16xf32>
      %select_n3A_774 = arith.select %gt3A_773, %get3A_769, %select_n3A_761 : vector<16xi1>, vector<16xf32>
      %select_n3A_775 = arith.select %gt3A_772, %select_n3A_764, %select_n3A_774 : vector<16xi1>, vector<16xf32>
      %select_n3A_776 = arith.select %gt3A_773, %broadcast_in_dim3A_771, %select_n3A_763 : vector<16xi1>, vector<16xi32>
      %select_n3A_777 = arith.select %gt3A_772, %select_n3A_765, %select_n3A_776 : vector<16xi1>, vector<16xi32>
      %select_n3A_778 = arith.select %gt3A_772, %get3A_769, %select_n3A_764 : vector<16xi1>, vector<16xf32>
      %select_n3A_779 = arith.select %gt3A_772, %broadcast_in_dim3A_771, %select_n3A_765 : vector<16xi1>, vector<16xi32>
      %add3A_780 = arith.constant 33408 : i32
      %add3A_781 = arith.addi %add3A_780, %add3A_263 : i32
      %get3A_782 = arith.index_cast %add3A_781 : i32 to index
      %get3A_783 = tpu.vector_load %arg5[%get3A_782] {strides = array<i32>} : memref<65536xf32, #tpu.memory_space<vmem>>, vector<16xf32>,
      %broadcast_in_dim3A_784 = arith.constant 37 : i32
      %broadcast_in_dim3A_785 = vector.broadcast %broadcast_in_dim3A_784 : i32 to vector<16xi32>
      %gt3A_786 = arith.cmpf ogt, %get3A_783, %select_n3A_778 : vector<16xf32>
      %gt3A_787 = arith.cmpf ogt, %get3A_783, %select_n3A_775 : vector<16xf32>
      %select_n3A_788 = arith.select %gt3A_787, %get3A_783, %select_n3A_775 : vector<16xi1>, vector<16xf32>
      %select_n3A_789 = arith.select %gt3A_786, %select_n3A_778, %select_n3A_788 : vector<16xi1>, vector<16xf32>
      %select_n3A_790 = arith.select %gt3A_787, %broadcast_in_dim3A_785, %select_n3A_777 : vector<16xi1>, vector<16xi32>
      %select_n3A_791 = arith.select %gt3A_786, %select_n3A_779, %select_n3A_790 : vector<16xi1>, vector<16xi32>
      %select_n3A_792 = arith.select %gt3A_786, %get3A_783, %select_n3A_778 : vector<16xi1>, vector<16xf32>
      %select_n3A_793 = arith.select %gt3A_786, %broadcast_in_dim3A_785, %select_n3A_779 : vector<16xi1>, vector<16xi32>
      %add3A_794 = arith.constant 33536 : i32
      %add3A_795 = arith.addi %add3A_794, %add3A_263 : i32
      %get3A_796 = arith.index_cast %add3A_795 : i32 to index
      %get3A_797 = tpu.vector_load %arg5[%get3A_796] {strides = array<i32>} : memref<65536xf32, #tpu.memory_space<vmem>>, vector<16xf32>,
      %broadcast_in_dim3A_798 = arith.constant 38 : i32
      %broadcast_in_dim3A_799 = vector.broadcast %broadcast_in_dim3A_798 : i32 to vector<16xi32>
      %gt3A_800 = arith.cmpf ogt, %get3A_797, %select_n3A_792 : vector<16xf32>
      %gt3A_801 = arith.cmpf ogt, %get3A_797, %select_n3A_789 : vector<16xf32>
      %select_n3A_802 = arith.select %gt3A_801, %get3A_797, %select_n3A_789 : vector<16xi1>, vector<16xf32>
      %select_n3A_803 = arith.select %gt3A_800, %select_n3A_792, %select_n3A_802 : vector<16xi1>, vector<16xf32>
      %select_n3A_804 = arith.select %gt3A_801, %broadcast_in_dim3A_799, %select_n3A_791 : vector<16xi1>, vector<16xi32>
      %select_n3A_805 = arith.select %gt3A_800, %select_n3A_793, %select_n3A_804 : vector<16xi1>, vector<16xi32>
      %select_n3A_806 = arith.select %gt3A_800, %get3A_797, %select_n3A_792 : vector<16xi1>, vector<16xf32>
      %select_n3A_807 = arith.select %gt3A_800, %broadcast_in_dim3A_799, %select_n3A_793 : vector<16xi1>, vector<16xi32>
      %add3A_808 = arith.constant 33664 : i32
      %add3A_809 = arith.addi %add3A_808, %add3A_263 : i32
      %get3A_810 = arith.index_cast %add3A_809 : i32 to index
      %get3A_811 = tpu.vector_load %arg5[%get3A_810] {strides = array<i32>} : memref<65536xf32, #tpu.memory_space<vmem>>, vector<16xf32>,
      %broadcast_in_dim3A_812 = arith.constant 39 : i32
      %broadcast_in_dim3A_813 = vector.broadcast %broadcast_in_dim3A_812 : i32 to vector<16xi32>
      %gt3A_814 = arith.cmpf ogt, %get3A_811, %select_n3A_806 : vector<16xf32>
      %gt3A_815 = arith.cmpf ogt, %get3A_811, %select_n3A_803 : vector<16xf32>
      %select_n3A_816 = arith.select %gt3A_815, %get3A_811, %select_n3A_803 : vector<16xi1>, vector<16xf32>
      %select_n3A_817 = arith.select %gt3A_814, %select_n3A_806, %select_n3A_816 : vector<16xi1>, vector<16xf32>
      %select_n3A_818 = arith.select %gt3A_815, %broadcast_in_dim3A_813, %select_n3A_805 : vector<16xi1>, vector<16xi32>
      %select_n3A_819 = arith.select %gt3A_814, %select_n3A_807, %select_n3A_818 : vector<16xi1>, vector<16xi32>
      %select_n3A_820 = arith.select %gt3A_814, %get3A_811, %select_n3A_806 : vector<16xi1>, vector<16xf32>
      %select_n3A_821 = arith.select %gt3A_814, %broadcast_in_dim3A_813, %select_n3A_807 : vector<16xi1>, vector<16xi32>
      %add3A_822 = arith.constant 40960 : i32
      %add3A_823 = arith.addi %add3A_822, %add3A_263 : i32
      %get3A_824 = arith.index_cast %add3A_823 : i32 to index
      %get3A_825 = tpu.vector_load %arg5[%get3A_824] {strides = array<i32>} : memref<65536xf32, #tpu.memory_space<vmem>>, vector<16xf32>,
      %broadcast_in_dim3A_826 = arith.constant 40 : i32
      %broadcast_in_dim3A_827 = vector.broadcast %broadcast_in_dim3A_826 : i32 to vector<16xi32>
      %gt3A_828 = arith.cmpf ogt, %get3A_825, %select_n3A_820 : vector<16xf32>
      %gt3A_829 = arith.cmpf ogt, %get3A_825, %select_n3A_817 : vector<16xf32>
      %select_n3A_830 = arith.select %gt3A_829, %get3A_825, %select_n3A_817 : vector<16xi1>, vector<16xf32>
      %select_n3A_831 = arith.select %gt3A_828, %select_n3A_820, %select_n3A_830 : vector<16xi1>, vector<16xf32>
      %select_n3A_832 = arith.select %gt3A_829, %broadcast_in_dim3A_827, %select_n3A_819 : vector<16xi1>, vector<16xi32>
      %select_n3A_833 = arith.select %gt3A_828, %select_n3A_821, %select_n3A_832 : vector<16xi1>, vector<16xi32>
      %select_n3A_834 = arith.select %gt3A_828, %get3A_825, %select_n3A_820 : vector<16xi1>, vector<16xf32>
      %select_n3A_835 = arith.select %gt3A_828, %broadcast_in_dim3A_827, %select_n3A_821 : vector<16xi1>, vector<16xi32>
      %add3A_836 = arith.constant 41088 : i32
      %add3A_837 = arith.addi %add3A_836, %add3A_263 : i32
      %get3A_838 = arith.index_cast %add3A_837 : i32 to index
      %get3A_839 = tpu.vector_load %arg5[%get3A_838] {strides = array<i32>} : memref<65536xf32, #tpu.memory_space<vmem>>, vector<16xf32>,
      %broadcast_in_dim3A_840 = arith.constant 41 : i32
      %broadcast_in_dim3A_841 = vector.broadcast %broadcast_in_dim3A_840 : i32 to vector<16xi32>
      %gt3A_842 = arith.cmpf ogt, %get3A_839, %select_n3A_834 : vector<16xf32>
      %gt3A_843 = arith.cmpf ogt, %get3A_839, %select_n3A_831 : vector<16xf32>
      %select_n3A_844 = arith.select %gt3A_843, %get3A_839, %select_n3A_831 : vector<16xi1>, vector<16xf32>
      %select_n3A_845 = arith.select %gt3A_842, %select_n3A_834, %select_n3A_844 : vector<16xi1>, vector<16xf32>
      %select_n3A_846 = arith.select %gt3A_843, %broadcast_in_dim3A_841, %select_n3A_833 : vector<16xi1>, vector<16xi32>
      %select_n3A_847 = arith.select %gt3A_842, %select_n3A_835, %select_n3A_846 : vector<16xi1>, vector<16xi32>
      %select_n3A_848 = arith.select %gt3A_842, %get3A_839, %select_n3A_834 : vector<16xi1>, vector<16xf32>
      %select_n3A_849 = arith.select %gt3A_842, %broadcast_in_dim3A_841, %select_n3A_835 : vector<16xi1>, vector<16xi32>
      %add3A_850 = arith.constant 41216 : i32
      %add3A_851 = arith.addi %add3A_850, %add3A_263 : i32
      %get3A_852 = arith.index_cast %add3A_851 : i32 to index
      %get3A_853 = tpu.vector_load %arg5[%get3A_852] {strides = array<i32>} : memref<65536xf32, #tpu.memory_space<vmem>>, vector<16xf32>,
      %broadcast_in_dim3A_854 = arith.constant 42 : i32
      %broadcast_in_dim3A_855 = vector.broadcast %broadcast_in_dim3A_854 : i32 to vector<16xi32>
      %gt3A_856 = arith.cmpf ogt, %get3A_853, %select_n3A_848 : vector<16xf32>
      %gt3A_857 = arith.cmpf ogt, %get3A_853, %select_n3A_845 : vector<16xf32>
      %select_n3A_858 = arith.select %gt3A_857, %get3A_853, %select_n3A_845 : vector<16xi1>, vector<16xf32>
      %select_n3A_859 = arith.select %gt3A_856, %select_n3A_848, %select_n3A_858 : vector<16xi1>, vector<16xf32>
      %select_n3A_860 = arith.select %gt3A_857, %broadcast_in_dim3A_855, %select_n3A_847 : vector<16xi1>, vector<16xi32>
      %select_n3A_861 = arith.select %gt3A_856, %select_n3A_849, %select_n3A_860 : vector<16xi1>, vector<16xi32>
      %select_n3A_862 = arith.select %gt3A_856, %get3A_853, %select_n3A_848 : vector<16xi1>, vector<16xf32>
      %select_n3A_863 = arith.select %gt3A_856, %broadcast_in_dim3A_855, %select_n3A_849 : vector<16xi1>, vector<16xi32>
      %add3A_864 = arith.constant 41344 : i32
      %add3A_865 = arith.addi %add3A_864, %add3A_263 : i32
      %get3A_866 = arith.index_cast %add3A_865 : i32 to index
      %get3A_867 = tpu.vector_load %arg5[%get3A_866] {strides = array<i32>} : memref<65536xf32, #tpu.memory_space<vmem>>, vector<16xf32>,
      %broadcast_in_dim3A_868 = arith.constant 43 : i32
      %broadcast_in_dim3A_869 = vector.broadcast %broadcast_in_dim3A_868 : i32 to vector<16xi32>
      %gt3A_870 = arith.cmpf ogt, %get3A_867, %select_n3A_862 : vector<16xf32>
      %gt3A_871 = arith.cmpf ogt, %get3A_867, %select_n3A_859 : vector<16xf32>
      %select_n3A_872 = arith.select %gt3A_871, %get3A_867, %select_n3A_859 : vector<16xi1>, vector<16xf32>
      %select_n3A_873 = arith.select %gt3A_870, %select_n3A_862, %select_n3A_872 : vector<16xi1>, vector<16xf32>
      %select_n3A_874 = arith.select %gt3A_871, %broadcast_in_dim3A_869, %select_n3A_861 : vector<16xi1>, vector<16xi32>
      %select_n3A_875 = arith.select %gt3A_870, %select_n3A_863, %select_n3A_874 : vector<16xi1>, vector<16xi32>
      %select_n3A_876 = arith.select %gt3A_870, %get3A_867, %select_n3A_862 : vector<16xi1>, vector<16xf32>
      %select_n3A_877 = arith.select %gt3A_870, %broadcast_in_dim3A_869, %select_n3A_863 : vector<16xi1>, vector<16xi32>
      %add3A_878 = arith.constant 41472 : i32
      %add3A_879 = arith.addi %add3A_878, %add3A_263 : i32
      %get3A_880 = arith.index_cast %add3A_879 : i32 to index
      %get3A_881 = tpu.vector_load %arg5[%get3A_880] {strides = array<i32>} : memref<65536xf32, #tpu.memory_space<vmem>>, vector<16xf32>,
      %broadcast_in_dim3A_882 = arith.constant 44 : i32
      %broadcast_in_dim3A_883 = vector.broadcast %broadcast_in_dim3A_882 : i32 to vector<16xi32>
      %gt3A_884 = arith.cmpf ogt, %get3A_881, %select_n3A_876 : vector<16xf32>
      %gt3A_885 = arith.cmpf ogt, %get3A_881, %select_n3A_873 : vector<16xf32>
      %select_n3A_886 = arith.select %gt3A_885, %get3A_881, %select_n3A_873 : vector<16xi1>, vector<16xf32>
      %select_n3A_887 = arith.select %gt3A_884, %select_n3A_876, %select_n3A_886 : vector<16xi1>, vector<16xf32>
      %select_n3A_888 = arith.select %gt3A_885, %broadcast_in_dim3A_883, %select_n3A_875 : vector<16xi1>, vector<16xi32>
      %select_n3A_889 = arith.select %gt3A_884, %select_n3A_877, %select_n3A_888 : vector<16xi1>, vector<16xi32>
      %select_n3A_890 = arith.select %gt3A_884, %get3A_881, %select_n3A_876 : vector<16xi1>, vector<16xf32>
      %select_n3A_891 = arith.select %gt3A_884, %broadcast_in_dim3A_883, %select_n3A_877 : vector<16xi1>, vector<16xi32>
      %add3A_892 = arith.constant 41600 : i32
      %add3A_893 = arith.addi %add3A_892, %add3A_263 : i32
      %get3A_894 = arith.index_cast %add3A_893 : i32 to index
      %get3A_895 = tpu.vector_load %arg5[%get3A_894] {strides = array<i32>} : memref<65536xf32, #tpu.memory_space<vmem>>, vector<16xf32>,
      %broadcast_in_dim3A_896 = arith.constant 45 : i32
      %broadcast_in_dim3A_897 = vector.broadcast %broadcast_in_dim3A_896 : i32 to vector<16xi32>
      %gt3A_898 = arith.cmpf ogt, %get3A_895, %select_n3A_890 : vector<16xf32>
      %gt3A_899 = arith.cmpf ogt, %get3A_895, %select_n3A_887 : vector<16xf32>
      %select_n3A_900 = arith.select %gt3A_899, %get3A_895, %select_n3A_887 : vector<16xi1>, vector<16xf32>
      %select_n3A_901 = arith.select %gt3A_898, %select_n3A_890, %select_n3A_900 : vector<16xi1>, vector<16xf32>
      %select_n3A_902 = arith.select %gt3A_899, %broadcast_in_dim3A_897, %select_n3A_889 : vector<16xi1>, vector<16xi32>
      %select_n3A_903 = arith.select %gt3A_898, %select_n3A_891, %select_n3A_902 : vector<16xi1>, vector<16xi32>
      %select_n3A_904 = arith.select %gt3A_898, %get3A_895, %select_n3A_890 : vector<16xi1>, vector<16xf32>
      %select_n3A_905 = arith.select %gt3A_898, %broadcast_in_dim3A_897, %select_n3A_891 : vector<16xi1>, vector<16xi32>
      %add3A_906 = arith.constant 41728 : i32
      %add3A_907 = arith.addi %add3A_906, %add3A_263 : i32
      %get3A_908 = arith.index_cast %add3A_907 : i32 to index
      %get3A_909 = tpu.vector_load %arg5[%get3A_908] {strides = array<i32>} : memref<65536xf32, #tpu.memory_space<vmem>>, vector<16xf32>,
      %broadcast_in_dim3A_910 = arith.constant 46 : i32
      %broadcast_in_dim3A_911 = vector.broadcast %broadcast_in_dim3A_910 : i32 to vector<16xi32>
      %gt3A_912 = arith.cmpf ogt, %get3A_909, %select_n3A_904 : vector<16xf32>
      %gt3A_913 = arith.cmpf ogt, %get3A_909, %select_n3A_901 : vector<16xf32>
      %select_n3A_914 = arith.select %gt3A_913, %get3A_909, %select_n3A_901 : vector<16xi1>, vector<16xf32>
      %select_n3A_915 = arith.select %gt3A_912, %select_n3A_904, %select_n3A_914 : vector<16xi1>, vector<16xf32>
      %select_n3A_916 = arith.select %gt3A_913, %broadcast_in_dim3A_911, %select_n3A_903 : vector<16xi1>, vector<16xi32>
      %select_n3A_917 = arith.select %gt3A_912, %select_n3A_905, %select_n3A_916 : vector<16xi1>, vector<16xi32>
      %select_n3A_918 = arith.select %gt3A_912, %get3A_909, %select_n3A_904 : vector<16xi1>, vector<16xf32>
      %select_n3A_919 = arith.select %gt3A_912, %broadcast_in_dim3A_911, %select_n3A_905 : vector<16xi1>, vector<16xi32>
      %add3A_920 = arith.constant 41856 : i32
      %add3A_921 = arith.addi %add3A_920, %add3A_263 : i32
      %get3A_922 = arith.index_cast %add3A_921 : i32 to index
      %get3A_923 = tpu.vector_load %arg5[%get3A_922] {strides = array<i32>} : memref<65536xf32, #tpu.memory_space<vmem>>, vector<16xf32>,
      %broadcast_in_dim3A_924 = arith.constant 47 : i32
      %broadcast_in_dim3A_925 = vector.broadcast %broadcast_in_dim3A_924 : i32 to vector<16xi32>
      %gt3A_926 = arith.cmpf ogt, %get3A_923, %select_n3A_918 : vector<16xf32>
      %gt3A_927 = arith.cmpf ogt, %get3A_923, %select_n3A_915 : vector<16xf32>
      %select_n3A_928 = arith.select %gt3A_927, %get3A_923, %select_n3A_915 : vector<16xi1>, vector<16xf32>
      %select_n3A_929 = arith.select %gt3A_926, %select_n3A_918, %select_n3A_928 : vector<16xi1>, vector<16xf32>
      %select_n3A_930 = arith.select %gt3A_927, %broadcast_in_dim3A_925, %select_n3A_917 : vector<16xi1>, vector<16xi32>
      %select_n3A_931 = arith.select %gt3A_926, %select_n3A_919, %select_n3A_930 : vector<16xi1>, vector<16xi32>
      %select_n3A_932 = arith.select %gt3A_926, %get3A_923, %select_n3A_918 : vector<16xi1>, vector<16xf32>
      %select_n3A_933 = arith.select %gt3A_926, %broadcast_in_dim3A_925, %select_n3A_919 : vector<16xi1>, vector<16xi32>
      %add3A_934 = arith.constant 49152 : i32
      %add3A_935 = arith.addi %add3A_934, %add3A_263 : i32
      %get3A_936 = arith.index_cast %add3A_935 : i32 to index
      %get3A_937 = tpu.vector_load %arg5[%get3A_936] {strides = array<i32>} : memref<65536xf32, #tpu.memory_space<vmem>>, vector<16xf32>,
      %broadcast_in_dim3A_938 = arith.constant 48 : i32
      %broadcast_in_dim3A_939 = vector.broadcast %broadcast_in_dim3A_938 : i32 to vector<16xi32>
      %gt3A_940 = arith.cmpf ogt, %get3A_937, %broadcast_in_dim3A_207 : vector<16xf32>
      %gt3A_941 = arith.cmpf ogt, %get3A_937, %broadcast_in_dim3A_207 : vector<16xf32>
      %select_n3A_942 = arith.select %gt3A_941, %get3A_937, %broadcast_in_dim3A_207 : vector<16xi1>, vector<16xf32>
      %select_n3A_943 = arith.select %gt3A_940, %broadcast_in_dim3A_207, %select_n3A_942 : vector<16xi1>, vector<16xf32>
      %select_n3A_944 = arith.select %gt3A_941, %broadcast_in_dim3A_939, %broadcast_in_dim3A_209 : vector<16xi1>, vector<16xi32>
      %select_n3A_945 = arith.select %gt3A_940, %broadcast_in_dim3A_209, %select_n3A_944 : vector<16xi1>, vector<16xi32>
      %select_n3A_946 = arith.select %gt3A_940, %get3A_937, %broadcast_in_dim3A_207 : vector<16xi1>, vector<16xf32>
      %select_n3A_947 = arith.select %gt3A_940, %broadcast_in_dim3A_939, %broadcast_in_dim3A_209 : vector<16xi1>, vector<16xi32>
      %add3A_948 = arith.constant 49280 : i32
      %add3A_949 = arith.addi %add3A_948, %add3A_263 : i32
      %get3A_950 = arith.index_cast %add3A_949 : i32 to index
      %get3A_951 = tpu.vector_load %arg5[%get3A_950] {strides = array<i32>} : memref<65536xf32, #tpu.memory_space<vmem>>, vector<16xf32>,
      %broadcast_in_dim3A_952 = arith.constant 49 : i32
      %broadcast_in_dim3A_953 = vector.broadcast %broadcast_in_dim3A_952 : i32 to vector<16xi32>
      %gt3A_954 = arith.cmpf ogt, %get3A_951, %select_n3A_946 : vector<16xf32>
      %gt3A_955 = arith.cmpf ogt, %get3A_951, %select_n3A_943 : vector<16xf32>
      %select_n3A_956 = arith.select %gt3A_955, %get3A_951, %select_n3A_943 : vector<16xi1>, vector<16xf32>
      %select_n3A_957 = arith.select %gt3A_954, %select_n3A_946, %select_n3A_956 : vector<16xi1>, vector<16xf32>
      %select_n3A_958 = arith.select %gt3A_955, %broadcast_in_dim3A_953, %select_n3A_945 : vector<16xi1>, vector<16xi32>
      %select_n3A_959 = arith.select %gt3A_954, %select_n3A_947, %select_n3A_958 : vector<16xi1>, vector<16xi32>
      %select_n3A_960 = arith.select %gt3A_954, %get3A_951, %select_n3A_946 : vector<16xi1>, vector<16xf32>
      %select_n3A_961 = arith.select %gt3A_954, %broadcast_in_dim3A_953, %select_n3A_947 : vector<16xi1>, vector<16xi32>
      %add3A_962 = arith.constant 49408 : i32
      %add3A_963 = arith.addi %add3A_962, %add3A_263 : i32
      %get3A_964 = arith.index_cast %add3A_963 : i32 to index
      %get3A_965 = tpu.vector_load %arg5[%get3A_964] {strides = array<i32>} : memref<65536xf32, #tpu.memory_space<vmem>>, vector<16xf32>,
      %broadcast_in_dim3A_966 = arith.constant 50 : i32
      %broadcast_in_dim3A_967 = vector.broadcast %broadcast_in_dim3A_966 : i32 to vector<16xi32>
      %gt3A_968 = arith.cmpf ogt, %get3A_965, %select_n3A_960 : vector<16xf32>
      %gt3A_969 = arith.cmpf ogt, %get3A_965, %select_n3A_957 : vector<16xf32>
      %select_n3A_970 = arith.select %gt3A_969, %get3A_965, %select_n3A_957 : vector<16xi1>, vector<16xf32>
      %select_n3A_971 = arith.select %gt3A_968, %select_n3A_960, %select_n3A_970 : vector<16xi1>, vector<16xf32>
      %select_n3A_972 = arith.select %gt3A_969, %broadcast_in_dim3A_967, %select_n3A_959 : vector<16xi1>, vector<16xi32>
      %select_n3A_973 = arith.select %gt3A_968, %select_n3A_961, %select_n3A_972 : vector<16xi1>, vector<16xi32>
      %select_n3A_974 = arith.select %gt3A_968, %get3A_965, %select_n3A_960 : vector<16xi1>, vector<16xf32>
      %select_n3A_975 = arith.select %gt3A_968, %broadcast_in_dim3A_967, %select_n3A_961 : vector<16xi1>, vector<16xi32>
      %add3A_976 = arith.constant 49536 : i32
      %add3A_977 = arith.addi %add3A_976, %add3A_263 : i32
      %get3A_978 = arith.index_cast %add3A_977 : i32 to index
      %get3A_979 = tpu.vector_load %arg5[%get3A_978] {strides = array<i32>} : memref<65536xf32, #tpu.memory_space<vmem>>, vector<16xf32>,
      %broadcast_in_dim3A_980 = arith.constant 51 : i32
      %broadcast_in_dim3A_981 = vector.broadcast %broadcast_in_dim3A_980 : i32 to vector<16xi32>
      %gt3A_982 = arith.cmpf ogt, %get3A_979, %select_n3A_974 : vector<16xf32>
      %gt3A_983 = arith.cmpf ogt, %get3A_979, %select_n3A_971 : vector<16xf32>
      %select_n3A_984 = arith.select %gt3A_983, %get3A_979, %select_n3A_971 : vector<16xi1>, vector<16xf32>
      %select_n3A_985 = arith.select %gt3A_982, %select_n3A_974, %select_n3A_984 : vector<16xi1>, vector<16xf32>
      %select_n3A_986 = arith.select %gt3A_983, %broadcast_in_dim3A_981, %select_n3A_973 : vector<16xi1>, vector<16xi32>
      %select_n3A_987 = arith.select %gt3A_982, %select_n3A_975, %select_n3A_986 : vector<16xi1>, vector<16xi32>
      %select_n3A_988 = arith.select %gt3A_982, %get3A_979, %select_n3A_974 : vector<16xi1>, vector<16xf32>
      %select_n3A_989 = arith.select %gt3A_982, %broadcast_in_dim3A_981, %select_n3A_975 : vector<16xi1>, vector<16xi32>
      %add3A_990 = arith.constant 49664 : i32
      %add3A_991 = arith.addi %add3A_990, %add3A_263 : i32
      %get3A_992 = arith.index_cast %add3A_991 : i32 to index
      %get3A_993 = tpu.vector_load %arg5[%get3A_992] {strides = array<i32>} : memref<65536xf32, #tpu.memory_space<vmem>>, vector<16xf32>,
      %broadcast_in_dim3A_994 = arith.constant 52 : i32
      %broadcast_in_dim3A_995 = vector.broadcast %broadcast_in_dim3A_994 : i32 to vector<16xi32>
      %gt3A_996 = arith.cmpf ogt, %get3A_993, %select_n3A_988 : vector<16xf32>
      %gt3A_997 = arith.cmpf ogt, %get3A_993, %select_n3A_985 : vector<16xf32>
      %select_n3A_998 = arith.select %gt3A_997, %get3A_993, %select_n3A_985 : vector<16xi1>, vector<16xf32>
      %select_n3A_999 = arith.select %gt3A_996, %select_n3A_988, %select_n3A_998 : vector<16xi1>, vector<16xf32>
      %select_n3A_1000 = arith.select %gt3A_997, %broadcast_in_dim3A_995, %select_n3A_987 : vector<16xi1>, vector<16xi32>
      %select_n3A_1001 = arith.select %gt3A_996, %select_n3A_989, %select_n3A_1000 : vector<16xi1>, vector<16xi32>
      %select_n3A_1002 = arith.select %gt3A_996, %get3A_993, %select_n3A_988 : vector<16xi1>, vector<16xf32>
      %select_n3A_1003 = arith.select %gt3A_996, %broadcast_in_dim3A_995, %select_n3A_989 : vector<16xi1>, vector<16xi32>
      %add3A_1004 = arith.constant 49792 : i32
      %add3A_1005 = arith.addi %add3A_1004, %add3A_263 : i32
      %get3A_1006 = arith.index_cast %add3A_1005 : i32 to index
      %get3A_1007 = tpu.vector_load %arg5[%get3A_1006] {strides = array<i32>} : memref<65536xf32, #tpu.memory_space<vmem>>, vector<16xf32>,
      %broadcast_in_dim3A_1008 = arith.constant 53 : i32
      %broadcast_in_dim3A_1009 = vector.broadcast %broadcast_in_dim3A_1008 : i32 to vector<16xi32>
      %gt3A_1010 = arith.cmpf ogt, %get3A_1007, %select_n3A_1002 : vector<16xf32>
      %gt3A_1011 = arith.cmpf ogt, %get3A_1007, %select_n3A_999 : vector<16xf32>
      %select_n3A_1012 = arith.select %gt3A_1011, %get3A_1007, %select_n3A_999 : vector<16xi1>, vector<16xf32>
      %select_n3A_1013 = arith.select %gt3A_1010, %select_n3A_1002, %select_n3A_1012 : vector<16xi1>, vector<16xf32>
      %select_n3A_1014 = arith.select %gt3A_1011, %broadcast_in_dim3A_1009, %select_n3A_1001 : vector<16xi1>, vector<16xi32>
      %select_n3A_1015 = arith.select %gt3A_1010, %select_n3A_1003, %select_n3A_1014 : vector<16xi1>, vector<16xi32>
      %select_n3A_1016 = arith.select %gt3A_1010, %get3A_1007, %select_n3A_1002 : vector<16xi1>, vector<16xf32>
      %select_n3A_1017 = arith.select %gt3A_1010, %broadcast_in_dim3A_1009, %select_n3A_1003 : vector<16xi1>, vector<16xi32>
      %add3A_1018 = arith.constant 49920 : i32
      %add3A_1019 = arith.addi %add3A_1018, %add3A_263 : i32
      %get3A_1020 = arith.index_cast %add3A_1019 : i32 to index
      %get3A_1021 = tpu.vector_load %arg5[%get3A_1020] {strides = array<i32>} : memref<65536xf32, #tpu.memory_space<vmem>>, vector<16xf32>,
      %broadcast_in_dim3A_1022 = arith.constant 54 : i32
      %broadcast_in_dim3A_1023 = vector.broadcast %broadcast_in_dim3A_1022 : i32 to vector<16xi32>
      %gt3A_1024 = arith.cmpf ogt, %get3A_1021, %select_n3A_1016 : vector<16xf32>
      %gt3A_1025 = arith.cmpf ogt, %get3A_1021, %select_n3A_1013 : vector<16xf32>
      %select_n3A_1026 = arith.select %gt3A_1025, %get3A_1021, %select_n3A_1013 : vector<16xi1>, vector<16xf32>
      %select_n3A_1027 = arith.select %gt3A_1024, %select_n3A_1016, %select_n3A_1026 : vector<16xi1>, vector<16xf32>
      %select_n3A_1028 = arith.select %gt3A_1025, %broadcast_in_dim3A_1023, %select_n3A_1015 : vector<16xi1>, vector<16xi32>
      %select_n3A_1029 = arith.select %gt3A_1024, %select_n3A_1017, %select_n3A_1028 : vector<16xi1>, vector<16xi32>
      %select_n3A_1030 = arith.select %gt3A_1024, %get3A_1021, %select_n3A_1016 : vector<16xi1>, vector<16xf32>
      %select_n3A_1031 = arith.select %gt3A_1024, %broadcast_in_dim3A_1023, %select_n3A_1017 : vector<16xi1>, vector<16xi32>
      %add3A_1032 = arith.constant 50048 : i32
      %add3A_1033 = arith.addi %add3A_1032, %add3A_263 : i32
      %get3A_1034 = arith.index_cast %add3A_1033 : i32 to index
      %get3A_1035 = tpu.vector_load %arg5[%get3A_1034] {strides = array<i32>} : memref<65536xf32, #tpu.memory_space<vmem>>, vector<16xf32>,
      %broadcast_in_dim3A_1036 = arith.constant 55 : i32
      %broadcast_in_dim3A_1037 = vector.broadcast %broadcast_in_dim3A_1036 : i32 to vector<16xi32>
      %gt3A_1038 = arith.cmpf ogt, %get3A_1035, %select_n3A_1030 : vector<16xf32>
      %gt3A_1039 = arith.cmpf ogt, %get3A_1035, %select_n3A_1027 : vector<16xf32>
      %select_n3A_1040 = arith.select %gt3A_1039, %get3A_1035, %select_n3A_1027 : vector<16xi1>, vector<16xf32>
      %select_n3A_1041 = arith.select %gt3A_1038, %select_n3A_1030, %select_n3A_1040 : vector<16xi1>, vector<16xf32>
      %select_n3A_1042 = arith.select %gt3A_1039, %broadcast_in_dim3A_1037, %select_n3A_1029 : vector<16xi1>, vector<16xi32>
      %select_n3A_1043 = arith.select %gt3A_1038, %select_n3A_1031, %select_n3A_1042 : vector<16xi1>, vector<16xi32>
      %select_n3A_1044 = arith.select %gt3A_1038, %get3A_1035, %select_n3A_1030 : vector<16xi1>, vector<16xf32>
      %select_n3A_1045 = arith.select %gt3A_1038, %broadcast_in_dim3A_1037, %select_n3A_1031 : vector<16xi1>, vector<16xi32>
      %add3A_1046 = arith.constant 57344 : i32
      %add3A_1047 = arith.addi %add3A_1046, %add3A_263 : i32
      %get3A_1048 = arith.index_cast %add3A_1047 : i32 to index
      %get3A_1049 = tpu.vector_load %arg5[%get3A_1048] {strides = array<i32>} : memref<65536xf32, #tpu.memory_space<vmem>>, vector<16xf32>,
      %broadcast_in_dim3A_1050 = arith.constant 56 : i32
      %broadcast_in_dim3A_1051 = vector.broadcast %broadcast_in_dim3A_1050 : i32 to vector<16xi32>
      %gt3A_1052 = arith.cmpf ogt, %get3A_1049, %select_n3A_1044 : vector<16xf32>
      %gt3A_1053 = arith.cmpf ogt, %get3A_1049, %select_n3A_1041 : vector<16xf32>
      %select_n3A_1054 = arith.select %gt3A_1053, %get3A_1049, %select_n3A_1041 : vector<16xi1>, vector<16xf32>
      %select_n3A_1055 = arith.select %gt3A_1052, %select_n3A_1044, %select_n3A_1054 : vector<16xi1>, vector<16xf32>
      %select_n3A_1056 = arith.select %gt3A_1053, %broadcast_in_dim3A_1051, %select_n3A_1043 : vector<16xi1>, vector<16xi32>
      %select_n3A_1057 = arith.select %gt3A_1052, %select_n3A_1045, %select_n3A_1056 : vector<16xi1>, vector<16xi32>
      %select_n3A_1058 = arith.select %gt3A_1052, %get3A_1049, %select_n3A_1044 : vector<16xi1>, vector<16xf32>
      %select_n3A_1059 = arith.select %gt3A_1052, %broadcast_in_dim3A_1051, %select_n3A_1045 : vector<16xi1>, vector<16xi32>
      %add3A_1060 = arith.constant 57472 : i32
      %add3A_1061 = arith.addi %add3A_1060, %add3A_263 : i32
      %get3A_1062 = arith.index_cast %add3A_1061 : i32 to index
      %get3A_1063 = tpu.vector_load %arg5[%get3A_1062] {strides = array<i32>} : memref<65536xf32, #tpu.memory_space<vmem>>, vector<16xf32>,
      %broadcast_in_dim3A_1064 = arith.constant 57 : i32
      %broadcast_in_dim3A_1065 = vector.broadcast %broadcast_in_dim3A_1064 : i32 to vector<16xi32>
      %gt3A_1066 = arith.cmpf ogt, %get3A_1063, %select_n3A_1058 : vector<16xf32>
      %gt3A_1067 = arith.cmpf ogt, %get3A_1063, %select_n3A_1055 : vector<16xf32>
      %select_n3A_1068 = arith.select %gt3A_1067, %get3A_1063, %select_n3A_1055 : vector<16xi1>, vector<16xf32>
      %select_n3A_1069 = arith.select %gt3A_1066, %select_n3A_1058, %select_n3A_1068 : vector<16xi1>, vector<16xf32>
      %select_n3A_1070 = arith.select %gt3A_1067, %broadcast_in_dim3A_1065, %select_n3A_1057 : vector<16xi1>, vector<16xi32>
      %select_n3A_1071 = arith.select %gt3A_1066, %select_n3A_1059, %select_n3A_1070 : vector<16xi1>, vector<16xi32>
      %select_n3A_1072 = arith.select %gt3A_1066, %get3A_1063, %select_n3A_1058 : vector<16xi1>, vector<16xf32>
      %select_n3A_1073 = arith.select %gt3A_1066, %broadcast_in_dim3A_1065, %select_n3A_1059 : vector<16xi1>, vector<16xi32>
      %add3A_1074 = arith.constant 57600 : i32
      %add3A_1075 = arith.addi %add3A_1074, %add3A_263 : i32
      %get3A_1076 = arith.index_cast %add3A_1075 : i32 to index
      %get3A_1077 = tpu.vector_load %arg5[%get3A_1076] {strides = array<i32>} : memref<65536xf32, #tpu.memory_space<vmem>>, vector<16xf32>,
      %broadcast_in_dim3A_1078 = arith.constant 58 : i32
      %broadcast_in_dim3A_1079 = vector.broadcast %broadcast_in_dim3A_1078 : i32 to vector<16xi32>
      %gt3A_1080 = arith.cmpf ogt, %get3A_1077, %select_n3A_1072 : vector<16xf32>
      %gt3A_1081 = arith.cmpf ogt, %get3A_1077, %select_n3A_1069 : vector<16xf32>
      %select_n3A_1082 = arith.select %gt3A_1081, %get3A_1077, %select_n3A_1069 : vector<16xi1>, vector<16xf32>
      %select_n3A_1083 = arith.select %gt3A_1080, %select_n3A_1072, %select_n3A_1082 : vector<16xi1>, vector<16xf32>
      %select_n3A_1084 = arith.select %gt3A_1081, %broadcast_in_dim3A_1079, %select_n3A_1071 : vector<16xi1>, vector<16xi32>
      %select_n3A_1085 = arith.select %gt3A_1080, %select_n3A_1073, %select_n3A_1084 : vector<16xi1>, vector<16xi32>
      %select_n3A_1086 = arith.select %gt3A_1080, %get3A_1077, %select_n3A_1072 : vector<16xi1>, vector<16xf32>
      %select_n3A_1087 = arith.select %gt3A_1080, %broadcast_in_dim3A_1079, %select_n3A_1073 : vector<16xi1>, vector<16xi32>
      %add3A_1088 = arith.constant 57728 : i32
      %add3A_1089 = arith.addi %add3A_1088, %add3A_263 : i32
      %get3A_1090 = arith.index_cast %add3A_1089 : i32 to index
      %get3A_1091 = tpu.vector_load %arg5[%get3A_1090] {strides = array<i32>} : memref<65536xf32, #tpu.memory_space<vmem>>, vector<16xf32>,
      %broadcast_in_dim3A_1092 = arith.constant 59 : i32
      %broadcast_in_dim3A_1093 = vector.broadcast %broadcast_in_dim3A_1092 : i32 to vector<16xi32>
      %gt3A_1094 = arith.cmpf ogt, %get3A_1091, %select_n3A_1086 : vector<16xf32>
      %gt3A_1095 = arith.cmpf ogt, %get3A_1091, %select_n3A_1083 : vector<16xf32>
      %select_n3A_1096 = arith.select %gt3A_1095, %get3A_1091, %select_n3A_1083 : vector<16xi1>, vector<16xf32>
      %select_n3A_1097 = arith.select %gt3A_1094, %select_n3A_1086, %select_n3A_1096 : vector<16xi1>, vector<16xf32>
      %select_n3A_1098 = arith.select %gt3A_1095, %broadcast_in_dim3A_1093, %select_n3A_1085 : vector<16xi1>, vector<16xi32>
      %select_n3A_1099 = arith.select %gt3A_1094, %select_n3A_1087, %select_n3A_1098 : vector<16xi1>, vector<16xi32>
      %select_n3A_1100 = arith.select %gt3A_1094, %get3A_1091, %select_n3A_1086 : vector<16xi1>, vector<16xf32>
      %select_n3A_1101 = arith.select %gt3A_1094, %broadcast_in_dim3A_1093, %select_n3A_1087 : vector<16xi1>, vector<16xi32>
      %add3A_1102 = arith.constant 57856 : i32
      %add3A_1103 = arith.addi %add3A_1102, %add3A_263 : i32
      %get3A_1104 = arith.index_cast %add3A_1103 : i32 to index
      %get3A_1105 = tpu.vector_load %arg5[%get3A_1104] {strides = array<i32>} : memref<65536xf32, #tpu.memory_space<vmem>>, vector<16xf32>,
      %broadcast_in_dim3A_1106 = arith.constant 60 : i32
      %broadcast_in_dim3A_1107 = vector.broadcast %broadcast_in_dim3A_1106 : i32 to vector<16xi32>
      %gt3A_1108 = arith.cmpf ogt, %get3A_1105, %select_n3A_1100 : vector<16xf32>
      %gt3A_1109 = arith.cmpf ogt, %get3A_1105, %select_n3A_1097 : vector<16xf32>
      %select_n3A_1110 = arith.select %gt3A_1109, %get3A_1105, %select_n3A_1097 : vector<16xi1>, vector<16xf32>
      %select_n3A_1111 = arith.select %gt3A_1108, %select_n3A_1100, %select_n3A_1110 : vector<16xi1>, vector<16xf32>
      %select_n3A_1112 = arith.select %gt3A_1109, %broadcast_in_dim3A_1107, %select_n3A_1099 : vector<16xi1>, vector<16xi32>
      %select_n3A_1113 = arith.select %gt3A_1108, %select_n3A_1101, %select_n3A_1112 : vector<16xi1>, vector<16xi32>
      %select_n3A_1114 = arith.select %gt3A_1108, %get3A_1105, %select_n3A_1100 : vector<16xi1>, vector<16xf32>
      %select_n3A_1115 = arith.select %gt3A_1108, %broadcast_in_dim3A_1107, %select_n3A_1101 : vector<16xi1>, vector<16xi32>
      %add3A_1116 = arith.constant 57984 : i32
      %add3A_1117 = arith.addi %add3A_1116, %add3A_263 : i32
      %get3A_1118 = arith.index_cast %add3A_1117 : i32 to index
      %get3A_1119 = tpu.vector_load %arg5[%get3A_1118] {strides = array<i32>} : memref<65536xf32, #tpu.memory_space<vmem>>, vector<16xf32>,
      %broadcast_in_dim3A_1120 = arith.constant 61 : i32
      %broadcast_in_dim3A_1121 = vector.broadcast %broadcast_in_dim3A_1120 : i32 to vector<16xi32>
      %gt3A_1122 = arith.cmpf ogt, %get3A_1119, %select_n3A_1114 : vector<16xf32>
      %gt3A_1123 = arith.cmpf ogt, %get3A_1119, %select_n3A_1111 : vector<16xf32>
      %select_n3A_1124 = arith.select %gt3A_1123, %get3A_1119, %select_n3A_1111 : vector<16xi1>, vector<16xf32>
      %select_n3A_1125 = arith.select %gt3A_1122, %select_n3A_1114, %select_n3A_1124 : vector<16xi1>, vector<16xf32>
      %select_n3A_1126 = arith.select %gt3A_1123, %broadcast_in_dim3A_1121, %select_n3A_1113 : vector<16xi1>, vector<16xi32>
      %select_n3A_1127 = arith.select %gt3A_1122, %select_n3A_1115, %select_n3A_1126 : vector<16xi1>, vector<16xi32>
      %select_n3A_1128 = arith.select %gt3A_1122, %get3A_1119, %select_n3A_1114 : vector<16xi1>, vector<16xf32>
      %select_n3A_1129 = arith.select %gt3A_1122, %broadcast_in_dim3A_1121, %select_n3A_1115 : vector<16xi1>, vector<16xi32>
      %add3A_1130 = arith.constant 58112 : i32
      %add3A_1131 = arith.addi %add3A_1130, %add3A_263 : i32
      %get3A_1132 = arith.index_cast %add3A_1131 : i32 to index
      %get3A_1133 = tpu.vector_load %arg5[%get3A_1132] {strides = array<i32>} : memref<65536xf32, #tpu.memory_space<vmem>>, vector<16xf32>,
      %broadcast_in_dim3A_1134 = arith.constant 62 : i32
      %broadcast_in_dim3A_1135 = vector.broadcast %broadcast_in_dim3A_1134 : i32 to vector<16xi32>
      %gt3A_1136 = arith.cmpf ogt, %get3A_1133, %select_n3A_1128 : vector<16xf32>
      %gt3A_1137 = arith.cmpf ogt, %get3A_1133, %select_n3A_1125 : vector<16xf32>
      %select_n3A_1138 = arith.select %gt3A_1137, %get3A_1133, %select_n3A_1125 : vector<16xi1>, vector<16xf32>
      %select_n3A_1139 = arith.select %gt3A_1136, %select_n3A_1128, %select_n3A_1138 : vector<16xi1>, vector<16xf32>
      %select_n3A_1140 = arith.select %gt3A_1137, %broadcast_in_dim3A_1135, %select_n3A_1127 : vector<16xi1>, vector<16xi32>
      %select_n3A_1141 = arith.select %gt3A_1136, %select_n3A_1129, %select_n3A_1140 : vector<16xi1>, vector<16xi32>
      %select_n3A_1142 = arith.select %gt3A_1136, %get3A_1133, %select_n3A_1128 : vector<16xi1>, vector<16xf32>
      %select_n3A_1143 = arith.select %gt3A_1136, %broadcast_in_dim3A_1135, %select_n3A_1129 : vector<16xi1>, vector<16xi32>
      %add3A_1144 = arith.constant 58240 : i32
      %add3A_1145 = arith.addi %add3A_1144, %add3A_263 : i32
      %get3A_1146 = arith.index_cast %add3A_1145 : i32 to index
      %get3A_1147 = tpu.vector_load %arg5[%get3A_1146] {strides = array<i32>} : memref<65536xf32, #tpu.memory_space<vmem>>, vector<16xf32>,
      %broadcast_in_dim3A_1148 = arith.constant 63 : i32
      %broadcast_in_dim3A_1149 = vector.broadcast %broadcast_in_dim3A_1148 : i32 to vector<16xi32>
      %gt3A_1150 = arith.cmpf ogt, %get3A_1147, %select_n3A_1142 : vector<16xf32>
      %gt3A_1151 = arith.cmpf ogt, %get3A_1147, %select_n3A_1139 : vector<16xf32>
      %select_n3A_1152 = arith.select %gt3A_1151, %get3A_1147, %select_n3A_1139 : vector<16xi1>, vector<16xf32>
      %select_n3A_1153 = arith.select %gt3A_1150, %select_n3A_1142, %select_n3A_1152 : vector<16xi1>, vector<16xf32>
      %select_n3A_1154 = arith.select %gt3A_1151, %broadcast_in_dim3A_1149, %select_n3A_1141 : vector<16xi1>, vector<16xi32>
      %select_n3A_1155 = arith.select %gt3A_1150, %select_n3A_1143, %select_n3A_1154 : vector<16xi1>, vector<16xi32>
      %select_n3A_1156 = arith.select %gt3A_1150, %get3A_1147, %select_n3A_1142 : vector<16xi1>, vector<16xf32>
      %select_n3A_1157 = arith.select %gt3A_1150, %broadcast_in_dim3A_1149, %select_n3A_1143 : vector<16xi1>, vector<16xi32>
      %gt3A_1158 = arith.cmpf ogt, %select_n3A_708, %select_n3A_484 : vector<16xf32>
      %select_n3A_1159 = arith.select %gt3A_1158, %select_n3A_708, %select_n3A_484 : vector<16xi1>, vector<16xf32>
      %select_n3A_1160 = arith.select %gt3A_1158, %select_n3A_709, %select_n3A_485 : vector<16xi1>, vector<16xi32>
      %select_n3A_1161 = arith.select %gt3A_1158, %select_n3A_484, %select_n3A_708 : vector<16xi1>, vector<16xf32>
      %select_n3A_1162 = arith.select %gt3A_1158, %select_n3A_485, %select_n3A_709 : vector<16xi1>, vector<16xi32>
      %select_n3A_1163 = arith.select %gt3A_1158, %select_n3A_705, %select_n3A_481 : vector<16xi1>, vector<16xf32>
      %select_n3A_1164 = arith.select %gt3A_1158, %select_n3A_707, %select_n3A_483 : vector<16xi1>, vector<16xi32>
      %gt3A_1165 = arith.cmpf ogt, %select_n3A_1161, %select_n3A_1163 : vector<16xf32>
      %select_n3A_1166 = arith.select %gt3A_1165, %select_n3A_1161, %select_n3A_1163 : vector<16xi1>, vector<16xf32>
      %select_n3A_1167 = arith.select %gt3A_1165, %select_n3A_1162, %select_n3A_1164 : vector<16xi1>, vector<16xi32>
      %gt3A_1168 = arith.cmpf ogt, %select_n3A_1156, %select_n3A_932 : vector<16xf32>
      %select_n3A_1169 = arith.select %gt3A_1168, %select_n3A_1156, %select_n3A_932 : vector<16xi1>, vector<16xf32>
      %select_n3A_1170 = arith.select %gt3A_1168, %select_n3A_1157, %select_n3A_933 : vector<16xi1>, vector<16xi32>
      %select_n3A_1171 = arith.select %gt3A_1168, %select_n3A_932, %select_n3A_1156 : vector<16xi1>, vector<16xf32>
      %select_n3A_1172 = arith.select %gt3A_1168, %select_n3A_933, %select_n3A_1157 : vector<16xi1>, vector<16xi32>
      %select_n3A_1173 = arith.select %gt3A_1168, %select_n3A_1153, %select_n3A_929 : vector<16xi1>, vector<16xf32>
      %select_n3A_1174 = arith.select %gt3A_1168, %select_n3A_1155, %select_n3A_931 : vector<16xi1>, vector<16xi32>
      %gt3A_1175 = arith.cmpf ogt, %select_n3A_1171, %select_n3A_1173 : vector<16xf32>
      %select_n3A_1176 = arith.select %gt3A_1175, %select_n3A_1171, %select_n3A_1173 : vector<16xi1>, vector<16xf32>
      %select_n3A_1177 = arith.select %gt3A_1175, %select_n3A_1172, %select_n3A_1174 : vector<16xi1>, vector<16xi32>
      %gt3A_1178 = arith.cmpf ogt, %select_n3A_1169, %select_n3A_1159 : vector<16xf32>
      %select_n3A_1179 = arith.select %gt3A_1178, %select_n3A_1169, %select_n3A_1159 : vector<16xi1>, vector<16xf32>
      %select_n3A_1180 = arith.select %gt3A_1178, %select_n3A_1170, %select_n3A_1160 : vector<16xi1>, vector<16xi32>
      %select_n3A_1181 = arith.select %gt3A_1178, %select_n3A_1159, %select_n3A_1169 : vector<16xi1>, vector<16xf32>
      %select_n3A_1182 = arith.select %gt3A_1178, %select_n3A_1160, %select_n3A_1170 : vector<16xi1>, vector<16xi32>
      %select_n3A_1183 = arith.select %gt3A_1178, %select_n3A_1176, %select_n3A_1166 : vector<16xi1>, vector<16xf32>
      %select_n3A_1184 = arith.select %gt3A_1178, %select_n3A_1177, %select_n3A_1167 : vector<16xi1>, vector<16xi32>
      %gt3A_1185 = arith.cmpf ogt, %select_n3A_1181, %select_n3A_1183 : vector<16xf32>
      %select_n3A_1186 = arith.select %gt3A_1185, %select_n3A_1181, %select_n3A_1183 : vector<16xi1>, vector<16xf32>
      %select_n3A_1187 = arith.select %gt3A_1185, %select_n3A_1182, %select_n3A_1184 : vector<16xi1>, vector<16xi32>
      %sub3A_1188 = arith.subf %select_n3A_1186, %select_n3A_1179 : vector<16xf32>
      %exp3A = math.exp %sub3A_1188 : vector<16xf32>
      %add3A_1189 = arith.constant 1.000000e+00 : f32
      %add3A_1190 = vector.broadcast %add3A_1189 : f32 to vector<16xf32>
      %add3A_1191 = arith.addf %add3A_1190, %exp3A : vector<16xf32>
      %jit3A_1192 = arith.constant 8 : i32
      %div3A_1193 = arith.divsi %scan3A_218, %jit3A_1192 : i32
      %sign3A_1194 = arith.constant 0 : i32
      %sign3A_1195 = arith.cmpi sgt, %scan3A_218, %sign3A_1194 : i32
      %sign3A_1196 = arith.extui %sign3A_1195 : i1 to i32
      %sign3A_1197 = arith.constant 0 : i32
      %sign3A_1198 = arith.cmpi slt, %scan3A_218, %sign3A_1197 : i32
      %sign3A_1199 = arith.extui %sign3A_1198 : i1 to i32
      %sign3A_1200 = arith.subi %sign3A_1196, %sign3A_1199 : i32
      %sign3A_1201 = arith.constant 0 : i32
      %sign3A_1202 = arith.cmpi sgt, %jit3A_1192, %sign3A_1201 : i32
      %sign3A_1203 = arith.extui %sign3A_1202 : i1 to i32
      %sign3A_1204 = arith.constant 0 : i32
      %sign3A_1205 = arith.cmpi slt, %jit3A_1192, %sign3A_1204 : i32
      %sign3A_1206 = arith.extui %sign3A_1205 : i1 to i32
      %sign3A_1207 = arith.subi %sign3A_1203, %sign3A_1206 : i32
      %ne3A_1208 = arith.cmpi ne, %sign3A_1200, %sign3A_1207 : i32
      %rem3A_1209 = arith.remsi %scan3A_218, %jit3A_1192 : i32
      %ne3A_1210 = arith.constant 0 : i32
      %ne3A_1211 = arith.cmpi ne, %rem3A_1209, %ne3A_1210 : i32
      %and3A_1212 = arith.andi %ne3A_1208, %ne3A_1211 : i1
      %sub3A_1213 = arith.constant 1 : i32
      %sub3A_1214 = arith.subi %div3A_1193, %sub3A_1213 : i32
      %select_n3A_1215 = arith.select %and3A_1212, %sub3A_1214, %div3A_1193 : i32
      %mul3A_1216 = arith.constant 256 : i32
      %mul3A_1217 = arith.muli %select_n3A_1215, %mul3A_1216 : i32
      %jit3A_1218 = arith.constant 8 : i32
      %eq3A_1219 = arith.constant 0 : i32
      %eq3A_1220 = arith.cmpi eq, %jit3A_1218, %eq3A_1219 : i32
      %jit3A_1221 = arith.constant 1 : i32
      %select_n3A_1222 = arith.select %eq3A_1220, %jit3A_1221, %jit3A_1218 : i32
      %rem3A_1223 = arith.remsi %scan3A_218, %select_n3A_1222 : i32
      %ne3A_1224 = arith.constant 0 : i32
      %ne3A_1225 = arith.cmpi ne, %rem3A_1223, %ne3A_1224 : i32
      %lt3A_1226 = arith.constant 0 : i32
      %lt3A_1227 = arith.cmpi slt, %rem3A_1223, %lt3A_1226 : i32
      %lt3A_1228 = arith.constant 0 : i32
      %lt3A_1229 = arith.cmpi slt, %select_n3A_1222, %lt3A_1228 : i32
      %ne3A_1230 = arith.xori %lt3A_1227, %lt3A_1229 : i1
      %and3A_1231 = arith.andi %ne3A_1230, %ne3A_1225 : i1
      %add3A_1232 = arith.addi %rem3A_1223, %select_n3A_1222 : i32
      %select_n3A_1233 = arith.select %and3A_1231, %add3A_1232, %rem3A_1223 : i32
      %mul3A_1234 = arith.constant 16 : i32
      %mul3A_1235 = arith.muli %select_n3A_1233, %mul3A_1234 : i32
      %add3A_1236 = arith.addi %mul3A_1217, %mul3A_1235 : i32
      %div3A_1237 = arith.constant 1.000000e+00 : f32
      %div3A_1238 = vector.broadcast %div3A_1237 : f32 to vector<16xf32>
      %div3A_1239 = arith.divf %div3A_1238, %add3A_1191 : vector<16xf32>
      %swap3A = arith.index_cast %add3A_1236 : i32 to index
      %swap3A_1240 = tpu.vector_load %arg6[%swap3A] {strides = array<i32>} : memref<2048xf32, #tpu.memory_space<vmem>>, vector<16xf32>,
      tpu.vector_store %arg6[%swap3A], %div3A_1239 {strides = array<i32>} : memref<2048xf32, #tpu.memory_space<vmem>>, vector<16xf32>,
      %div3A_1241 = arith.divf %exp3A, %add3A_1191 : vector<16xf32>
      %add3A_1242 = arith.constant 128 : i32
      %add3A_1243 = arith.addi %add3A_1236, %add3A_1242 : i32
      %swap3A_1244 = arith.index_cast %add3A_1243 : i32 to index
      %swap3A_1245 = tpu.vector_load %arg6[%swap3A_1244] {strides = array<i32>} : memref<2048xf32, #tpu.memory_space<vmem>>, vector<16xf32>,
      tpu.vector_store %arg6[%swap3A_1244], %div3A_1241 {strides = array<i32>} : memref<2048xf32, #tpu.memory_space<vmem>>, vector<16xf32>,
      %swap3A_1246 = arith.index_cast %add3A_1236 : i32 to index
      %swap3A_1247 = tpu.vector_load %arg7[%swap3A_1246] {strides = array<i32>} : memref<2048xi32, #tpu.memory_space<vmem>>, vector<16xi32>,
      tpu.vector_store %arg7[%swap3A_1246], %select_n3A_1180 {strides = array<i32>} : memref<2048xi32, #tpu.memory_space<vmem>>, vector<16xi32>,
      %add3A_1248 = arith.constant 128 : i32
      %add3A_1249 = arith.addi %add3A_1236, %add3A_1248 : i32
      %swap3A_1250 = arith.index_cast %add3A_1249 : i32 to index
      %swap3A_1251 = tpu.vector_load %arg7[%swap3A_1250] {strides = array<i32>} : memref<2048xi32, #tpu.memory_space<vmem>>, vector<16xi32>,
      tpu.vector_store %arg7[%swap3A_1250], %select_n3A_1187 {strides = array<i32>} : memref<2048xi32, #tpu.memory_space<vmem>>, vector<16xi32>,
    }
    %scan3A_213 = arith.constant 64 : i32
    %mul3A_214 = arith.constant 2 : i32
    %mul3A_215 = arith.muli %mul3A_214, %mul3A_2 : i32
    "tpu.region"() ({
      %run_scoped3A = tpu.sem_alloc : memref<!tpu.dma_semaphore, #tpu.memory_space<semaphore_mem>>
      %dma_start3A_218 = tpu.memref_slice %arg3[%mul3A_215] : memref<65536xf32, #tpu.memory_space<hbm>> -> memref<2048xf32, #tpu.memory_space<hbm>>
      %dma_start3A_219 = tpu.memref_slice %arg3[%mul3A_215] : memref<65536xf32, #tpu.memory_space<hbm>> -> memref<2048xf32, #tpu.memory_space<hbm>>
      tpu.enqueue_dma source(%arg6 : memref<2048xf32, #tpu.memory_space<vmem>>) target(%dma_start3A_219 : memref<2048xf32, #tpu.memory_space<hbm>>) target_semaphore(%run_scoped3A : memref<!tpu.dma_semaphore, #tpu.memory_space<semaphore_mem>>)
      %dma_wait3A_220 = tpu.memref_slice %arg3[%mul3A_215] : memref<65536xf32, #tpu.memory_space<hbm>> -> memref<2048xf32, #tpu.memory_space<hbm>>
      %dma_wait3A_221 = tpu.memref_slice %arg3[%mul3A_215] : memref<65536xf32, #tpu.memory_space<hbm>> -> memref<2048xf32, #tpu.memory_space<hbm>>
      tpu.wait_dma2 semaphore(%run_scoped3A : memref<!tpu.dma_semaphore, #tpu.memory_space<semaphore_mem>>) src(%arg6 : memref<2048xf32, #tpu.memory_space<vmem>>) dst(%dma_wait3A_221 : memref<2048xf32, #tpu.memory_space<hbm>>)
      tpu.yield
    }) : () -> ()
    %mul3A_216 = arith.constant 2 : i32
    %mul3A_217 = arith.muli %mul3A_216, %mul3A_2 : i32
    "tpu.region"() ({
      %run_scoped3A = tpu.sem_alloc : memref<!tpu.dma_semaphore, #tpu.memory_space<semaphore_mem>>
      %dma_start3A_218 = tpu.memref_slice %arg4[%mul3A_217] : memref<65536xi32, #tpu.memory_space<hbm>> -> memref<2048xi32, #tpu.memory_space<hbm>>
      %dma_start3A_219 = tpu.memref_slice %arg4[%mul3A_217] : memref<65536xi32, #tpu.memory_space<hbm>> -> memref<2048xi32, #tpu.memory_space<hbm>>
      tpu.enqueue_dma source(%arg7 : memref<2048xi32, #tpu.memory_space<vmem>>) target(%dma_start3A_219 : memref<2048xi32, #tpu.memory_space<hbm>>) target_semaphore(%run_scoped3A : memref<!tpu.dma_semaphore, #tpu.memory_space<semaphore_mem>>)
      %dma_wait3A_220 = tpu.memref_slice %arg4[%mul3A_217] : memref<65536xi32, #tpu.memory_space<hbm>> -> memref<2048xi32, #tpu.memory_space<hbm>>
      %dma_wait3A_221 = tpu.memref_slice %arg4[%mul3A_217] : memref<65536xi32, #tpu.memory_space<hbm>> -> memref<2048xi32, #tpu.memory_space<hbm>>
      tpu.wait_dma2 semaphore(%run_scoped3A : memref<!tpu.dma_semaphore, #tpu.memory_space<semaphore_mem>>) src(%arg7 : memref<2048xi32, #tpu.memory_space<vmem>>) dst(%dma_wait3A_221 : memref<2048xi32, #tpu.memory_space<hbm>>)
      tpu.yield
    }) : () -> ()
    return
  }
}

module attributes {stable_mosaic.version = 14 : i64} {
  func.func @_matmul_t_body(%arg0: i32, %arg1: memref<4096x768xf32, #tpu.memory_space<vmem>>, %arg2: memref<64x768xf32, #tpu.memory_space<vmem>>, %arg3: memref<1x8x32x8x128xf32, #tpu.memory_space<vmem>>) attributes {dimension_semantics = [#tpu.dimension_semantics<arbitrary>], iteration_bounds = array<i64: 8>, scalar_prefetch = 0 : i64, scratch_operands = 0 : i64, tpu.core_type = #tpu.core_type<tc>, window_params = [{transform_indices = @transform_0, window_bounds = array<i64: 4096, 768>}, {pipeline_mode = #tpu.pipeline_mode<synchronous>, transform_indices = @transform_1, window_bounds = array<i64: 64, 768>}, {transform_indices = @transform_2, window_bounds = array<i64: 1, 8, 32, 8, 128>}]} {
    %get3A = arith.constant 0 : index
    %get3A_0 = arith.constant 0 : index
    %get3A_1 = vector.load %arg1[%get3A, %get3A_0] : memref<4096x768xf32, #tpu.memory_space<vmem>>, vector<4096x768xf32>
    %get3A_2 = arith.constant 0 : index
    %get3A_3 = arith.constant 0 : index
    %get3A_4 = vector.load %arg2[%get3A_2, %get3A_3] : memref<64x768xf32, #tpu.memory_space<vmem>>, vector<64x768xf32>
    %dot_general3A = arith.constant dense<0.000000e+00> : vector<4096x64xf32>
    %dot_general3A_5 = tpu.matmul %get3A_1, %get3A_4, %dot_general3A {dimension_numbers = #tpu.dot_dimension_numbers<[1], [1], [0], [0], [0, 0, 1, 0], [], []>, transpose_lhs_hint = false} : vector<4096x768xf32>, vector<64x768xf32>, vector<4096x64xf32> -> vector<4096x64xf32>
    %transpose3A = tpu.transpose %dot_general3A_5, [1, 0] : vector<4096x64xf32> -> vector<64x4096xf32>
    %reshape3A = vector.shape_cast %transpose3A : vector<64x4096xf32> to vector<8x8x32x128xf32>
    %transpose3A_6 = tpu.transpose %reshape3A, [0, 2, 1, 3] : vector<8x8x32x128xf32> -> vector<8x32x8x128xf32>
    %broadcast_in_dim3A = vector.shape_cast %transpose3A_6 : vector<8x32x8x128xf32> to vector<1x8x32x8x128xf32>
    %swap3A = arith.constant 0 : index
    %swap3A_7 = arith.constant 0 : index
    %swap3A_8 = arith.constant 0 : index
    %swap3A_9 = arith.constant 0 : index
    %swap3A_10 = arith.constant 0 : index
    %swap3A_11 = vector.load %arg3[%swap3A, %swap3A_7, %swap3A_8, %swap3A_9, %swap3A_10] : memref<1x8x32x8x128xf32, #tpu.memory_space<vmem>>, vector<1x8x32x8x128xf32>
    tpu.vector_store %arg3[%swap3A, %swap3A_7, %swap3A_8, %swap3A_9, %swap3A_10], %broadcast_in_dim3A {strides = array<i32>} : memref<1x8x32x8x128xf32, #tpu.memory_space<vmem>>, vector<1x8x32x8x128xf32>,
    return
  }
  func.func @transform_0(%arg0: i32) -> (i32, i32) {
    %c0_i32 = arith.constant 0 : i32
    %c0_i32_0 = arith.constant 0 : i32
    return %arg0, %c0_i32 : i32, i32
  }
  func.func @transform_1(%arg0: i32) -> (i32, i32) {
    %c0_i32 = arith.constant 0 : i32
    %c0_i32_0 = arith.constant 0 : i32
    %c0_i32_1 = arith.constant 0 : i32
    return %c0_i32, %c0_i32_0 : i32, i32
  }
  func.func @transform_2(%arg0: i32) -> (i32, i32, i32, i32, i32) {
    %jit3A = arith.constant 2 : i32
    %div3A = arith.divsi %arg0, %jit3A : i32
    %sign3A = arith.constant 0 : i32
    %sign3A_0 = arith.cmpi sgt, %arg0, %sign3A : i32
    %sign3A_1 = arith.extui %sign3A_0 : i1 to i32
    %sign3A_2 = arith.constant 0 : i32
    %sign3A_3 = arith.cmpi slt, %arg0, %sign3A_2 : i32
    %sign3A_4 = arith.extui %sign3A_3 : i1 to i32
    %sign3A_5 = arith.subi %sign3A_1, %sign3A_4 : i32
    %sign3A_6 = arith.constant 0 : i32
    %sign3A_7 = arith.cmpi sgt, %jit3A, %sign3A_6 : i32
    %sign3A_8 = arith.extui %sign3A_7 : i1 to i32
    %sign3A_9 = arith.constant 0 : i32
    %sign3A_10 = arith.cmpi slt, %jit3A, %sign3A_9 : i32
    %sign3A_11 = arith.extui %sign3A_10 : i1 to i32
    %sign3A_12 = arith.subi %sign3A_8, %sign3A_11 : i32
    %ne3A = arith.cmpi ne, %sign3A_5, %sign3A_12 : i32
    %rem3A = arith.remsi %arg0, %jit3A : i32
    %ne3A_13 = arith.constant 0 : i32
    %ne3A_14 = arith.cmpi ne, %rem3A, %ne3A_13 : i32
    %and3A = arith.andi %ne3A, %ne3A_14 : i1
    %sub3A = arith.constant 1 : i32
    %sub3A_15 = arith.subi %div3A, %sub3A : i32
    %select_n3A = arith.select %and3A, %sub3A_15, %div3A : i32
    %jit3A_16 = arith.constant 2 : i32
    %eq3A = arith.constant 0 : i32
    %eq3A_17 = arith.cmpi eq, %jit3A_16, %eq3A : i32
    %jit3A_18 = arith.constant 1 : i32
    %select_n3A_19 = arith.select %eq3A_17, %jit3A_18, %jit3A_16 : i32
    %rem3A_20 = arith.remsi %arg0, %select_n3A_19 : i32
    %ne3A_21 = arith.constant 0 : i32
    %ne3A_22 = arith.cmpi ne, %rem3A_20, %ne3A_21 : i32
    %lt3A = arith.constant 0 : i32
    %lt3A_23 = arith.cmpi slt, %rem3A_20, %lt3A : i32
    %lt3A_24 = arith.constant 0 : i32
    %lt3A_25 = arith.cmpi slt, %select_n3A_19, %lt3A_24 : i32
    %ne3A_26 = arith.xori %lt3A_23, %lt3A_25 : i1
    %and3A_27 = arith.andi %ne3A_26, %ne3A_22 : i1
    %add3A = arith.addi %rem3A_20, %select_n3A_19 : i32
    %select_n3A_28 = arith.select %and3A_27, %add3A, %rem3A_20 : i32
    %c0_i32 = arith.constant 0 : i32
    %c0_i32_29 = arith.constant 0 : i32
    %c0_i32_30 = arith.constant 0 : i32
    %c0_i32_31 = arith.constant 0 : i32
    return %select_n3A, %c0_i32, %select_n3A_28, %c0_i32_29, %c0_i32_30 : i32, i32, i32, i32, i32
  }
}

</mosaic_0001>

<sc_bundles>
// kernel: kernel.4.cloned.1.call-start
scs
__scs_entry_jumppad:
0x0: {  	(pc) =	sbr.rel $0x88, $3  }
0x1: {  	(tag) =	ssettag $0x0;
	lr =	simm.s32 $0x1  }
0x2: {  	[smem:$0x3F9F] =	sst lr;
	_ =	strace $0xD0000000  }
0x3: {  	_ = 	snop  }
0x4: {  	_ = 	snop  }
0x5: {  	_ = 	snop  }
0x6: {  	_ = 	snop  }
0x7: {  	_ = 	snop  }
__scs_overlays_trampoline_lowered:
0x8: {  	[smem:$0x3FAE] =	sst s0  }
0x9: {  	[smem:$0x3FAF] =	sst s1  }
0xa: {  	[smem:$0x3FB0] =	sst s2  }
0xb: {  	[smem:$0x3FB1] =	sst s3  }
0xc: {  	[smem:$0x3FB2] =	sst s4  }
0xd: {  	[smem:$0x3FB3] =	sst s5  }
0xe: {  	[smem:$0x3FB4] =	sst s6  }
0xf: {  	[smem:$0x3FB5] =	sst s7  }
0x10: {  	[smem:$0x3FB6] =	sst s8  }
0x11: {  	[smem:$0x3FB7] =	sst s9;
	s0 =	simm.s32 @!p0 $0x0  }
0x12: {  	s1 =	sld [smem:$0x3F9D];
	s0 =	simm.s32 @p0 $0x1  }
0x13: {  	[smem:$0x3FB8] =	sst s0;
	s0 =	simm.s32 @!p1 $0x0  }
0x14: {  	s2 =	sld [smem:$0x3F9C];
	s0 =	simm.s32 @p1 $0x1  }
0x15: {  	[smem:$0x3FB9] =	sst s0;
	s0 =	simm.s32 @!p2 $0x0  }
0x16: {  	s3 =	sld [smem:$0x3FDB];
	s0 =	simm.s32 @p2 $0x1  }
0x17: {  	s4 =	simm.s32 $0x1BF5;
	[smem:$0x3FBB] =	sst s0  }
0x18: {  	s0 =	sld [smem:$0x3F9E];
	_ =	swait.ge [sflag:s4], $0x0  }
0x19: {  	s7 =	sld [smem:$0x3F9F]  }
0x1a: {  	s8 =	sadd.s32 $0xFFFFE003, lr  }
0x1b: {  	s9 =	sadd.s32 $0xFFFFFEF7, lr;
	s5 =	simm.s32 $0xFFFFFFFF;
	p2 =	slt.u32 s8, $0xFFFFF086  }
0x1c: {  	p1 =	slt.u32 s9, $0xF7A;
	s5 =	simm.s32 @!p2 $0x0  }
0x1d: {  	s5 =	simm.s32 @p1 $0x1;
	p0 =	seq.s32 s7, s2  }
0x1e: {  	s7 =	smul.u32 @!p0 $0xF7A, s2;
	p2 =	seq.s32 @!p0 s5, $0x0  }
0x1f: {  	s9 =	smul.u32 $0xF7A, s1;
	s8 =	simm.s32 @!p0 $0x1BF5;
	p2 =	por !p2, p0  }
0x20: {  	[sflag:s8] =	ssyncset.s32 @!p0 $0xFFFFF086;
	s6 =	sadd.s32 @!p0 s3, s7;
	s7 =	simm.s32 @!p0 $0x108  }
0x21: {  	s3 =	sadd.s32 s3, s9;
	s6 =	sadd.s32 @!p0 $0x88, s6;
	s7 =	simm.s32 @p2 $0x1082  }
0x22: {  	[simem:s7], [sflag:s8] =	dma.local @!p0 [hbm:s6], $0xF7A  }
0x23: {  	s9 =	sor.u32 $0xD0000000, s2;
	s6 =	simm.s32 $0x108;
	_ =	swait.ge @!p0 [sflag:s8], $0x0  }
0x24: {  	s3 =	sadd.s32 $0x88, s3;
	s6 =	simm.s32 @!p1 $0x1082;
	[sflag:s4] =	ssyncset.s32 $0xFFFFF086  }
0x25: {  	[simem:s6], [sflag:s4] =	dma.local [hbm:s3], $0xF7A  }
0x26: {  	[smem:$0x3F9F] =	sst s1;
	(tag) =	ssettag s2;
	_ =	strace s9  }
0x27: {  	s1 =	sld [smem:$0x3FAF]  }
0x28: {  	s2 =	sld [smem:$0x3FB0]  }
0x29: {  	s4 =	sld [smem:$0x3FB2]  }
0x2a: {  	p0 =	seq.s32 s5, $0x0;
	s5 =	sld [smem:$0x3FB3]  }
0x2b: {  	s6 =	sld [smem:$0x3FB4]  }
0x2c: {  	s7 =	sld [smem:$0x3FB5]  }
0x2d: {  	s3 =	simm.s32 $0x108;
	s8 =	sld [smem:$0x3FB6]  }
0x2e: {  	s3 =	simm.s32 @!p0 $0x1082;
	s9 =	sld [smem:$0x3FB7]  }
0x2f: {  	lr =	sadd.s32 s0, s3;
	s0 =	sld [smem:$0x3FAE]  }
0x30: {  	s3 =	sld [smem:$0x3FB1]  }
0x31: {  	[smem:$0x3FBA] =	sst s10  }
0x32: {  	s10 =	sld [smem:$0x3FB8];
	_ =	sdelay $0x3  }
0x33: {  	p0 =	seq.s32 s10, $0x1;
	s10 =	sld [smem:$0x3FBA];
	_ =	sdelay $0x3  }
0x34: {  	[smem:$0x3FBA] =	sst s10  }
0x35: {  	s10 =	sld [smem:$0x3FB9];
	_ =	sdelay $0x3  }
0x36: {  	p1 =	seq.s32 s10, $0x1;
	s10 =	sld [smem:$0x3FBA];
	_ =	sdelay $0x3  }
0x37: {  	[smem:$0x3FBA] =	sst s10  }
0x38: {  	s10 =	sld [smem:$0x3FBB]  }
0x39: {  	_ = 	snop;
	(pc) =	sbr.ind lr, $3  }
0x3a: {  	_ = 	snop  }
0x3b: {  	_ = 	snop  }
0x3c: {  	p2 =	seq.s32 s10, $0x1;
	s10 =	sld [smem:$0x3FBA]  }
0x3d: {  	_ =	shalt  }
0x3e: {  	_ =	shalt  }
0x3f: {  	_ =	shalt  }
0x40: {  	_ =	shalt  }
0x41: {  	_ =	shalt  }
0x42: {  	_ =	shalt  }
0x43: {  	_ =	shalt  }
0x44: {  	_ =	shalt  }
0x45: {  	_ =	shalt  }
0x46: {  	_ =	shalt  }
0x47: {  	_ =	shalt  }
0x48: {  	_ =	shalt  }
0x49: {  	_ =	shalt  }
0x4a: {  	_ =	shalt  }
0x4b: {  	_ =	shalt  }
0x4c: {  	_ =	shalt  }
0x4d: {  	_ =	shalt  }
0x4e: {  	_ =	shalt  }
0x4f: {  	_ =	shalt  }
0x50: {  	_ =	shalt  }
0x51: {  	_ =	shalt  }
0x52: {  	_ =	shalt  }
0x53: {  	_ =	shalt  }
0x54: {  	_ =	shalt  }
0x55: {  	_ =	shalt  }
0x56: {  	_ =	shalt  }
0x57: {  	_ =	shalt  }
0x58: {  	_ =	shalt  }
0x59: {  	_ =	shalt  }
0x5a: {  	_ =	shalt  }
0x5b: {  	_ =	shalt  }
0x5c: {  	_ =	shalt  }
0x5d: {  	_ =	shalt  }
0x5e: {  	_ =	shalt  }
0x5f: {  	_ =	shalt  }
0x60: {  	_ =	shalt  }
0x61: {  	_ =	shalt  }
0x62: {  	_ =	shalt  }
0x63: {  	_ =	shalt  }
0x64: {  	_ =	shalt  }
0x65: {  	_ =	shalt  }
0x66: {  	_ =	shalt  }
0x67: {  	_ =	shalt  }
0x68: {  	_ =	shalt  }
0x69: {  	_ =	shalt  }
0x6a: {  	_ =	shalt  }
0x6b: {  	_ =	shalt  }
0x6c: {  	_ =	shalt  }
0x6d: {  	_ =	shalt  }
0x6e: {  	_ =	shalt  }
0x6f: {  	_ =	shalt  }
0x70: {  	_ =	shalt  }
0x71: {  	_ =	shalt  }
0x72: {  	_ =	shalt  }
0x73: {  	_ =	shalt  }
0x74: {  	_ =	shalt  }
0x75: {  	_ =	shalt  }
0x76: {  	_ =	shalt  }
0x77: {  	_ =	shalt  }
0x78: {  	_ =	shalt  }
0x79: {  	_ =	shalt  }
0x7a: {  	_ =	shalt  }
0x7b: {  	_ =	shalt  }
0x7c: {  	_ =	shalt  }
0x7d: {  	_ =	shalt  }
0x7e: {  	_ =	shalt  }
0x7f: {  	_ =	shalt  }
0x80: {  	_ =	shalt  }
0x81: {  	_ =	shalt  }
0x82: {  	_ =	shalt  }
0x83: {  	_ =	shalt  }
0x84: {  	_ =	shalt  }
0x85: {  	_ =	shalt  }
0x86: {  	_ =	shalt  }
0x87: {  	_ =	shalt  }
.Lfunc_end0:
.L_simem_size_0:
called_computation_lowered:
.L_overlay_start_0:
0x88: {  	s2 =	sld [smem:$0x3FD9]  }
0x89: {  	s3 =	sld [smem:$0x3FFE];
	_ =	sdelay $0x1  }
0x8a: {  	s1 =	srdreg.scid  }
0x8b: {  	s0 =	sand.u32 $0x1, s1  }
0x8c: {  	s15 =	sshll.u32 s0, $0xA;
	s2 =	sadd.s32 s3, s2  }
0x8d: {  	s2 =	sadd.s32 s2, s15  }
0x8e: {  	[smem:$0x3FC6] =	sst s2  }
0x8f: {  	_ = 	snop  }
0x90: {  	s2 =	sld [smem:$0x3FD0];
	_ =	sdelay $0x2  }
0x91: {  	s16 =	simm.s32 $0xA;
	s4 =	simm.s32 $0x10  }
0x92: {  	[smem:s4], [sflag:s16] =	dma.local [hbm:s2], $0x1  }
0x93: {  	_ =	swait.eq [sflag:s16], $0x1  }
0x94: {  	s17 =	sld [smem:$0x10];
	[sflag:s16] =	ssyncset.done $0x0  }
0x95: {  	s18 =	sld [smem:$0x11];
	[sflag:s16] =	ssyncadd.s32 $0xFFFFFFFF  }
0x96: {  	s19 =	sld [smem:$0x12];
	(tm) =	ssettm $0x1  }
0x97: {  	s5 =	sld [smem:$0x3FFB];
	_ =	sdelay $0x3  }
0x98: {  	_ =	strace s5  }
0x99: {  	s5 =	sld [smem:$0x3FFC];
	_ =	sdelay $0x3  }
0x9a: {  	_ =	strace s5  }
0x9b: {  	s5 =	sld [smem:$0x3FFD];
	_ =	sdelay $0x3  }
0x9c: {  	_ =	strace s5  }
0x9d: {  	_ =	strace $0x8FFFFFFF  }
0x9e: {  	s20 =	sld [smem:$0x3FDB];
	_ =	sdelay $0x1  }
0x9f: {  	s6 =	simm.s32 $_scs_section_size  }
0xa0: {  	s7 =	simm.s32 $_size__tile_overlayer_lowered;
	s8 =	simm.s32 $_tile_overlayer_lowered  }
0xa1: {  	s23 =	simm.s32 $0x1BFF;
	s22 =	sshll.u32 s8, $0x1;
	s5 =	sadd.s32 s6, s20  }
0xa2: {  	s9 =	simm.s32 $0x0;
	s21 =	sshll.u32 s7, $0x1;
	s7 =	sadd.s32 s22, s5  }
0xa3: {  	[timem:s9], [sflag:s23] =	dma.local [hbm:s7], s21  }
0xa4: {  	_ =	swait.ge [sflag:s23], s21  }
0xa5: {  	s6 =	ssub.s32 $0x0, s21;
	[sflag:s23] =	ssyncset.done $0x0  }
0xa6: {  	[sflag:s23] =	ssyncadd.s32 s6;
	_ =	sdelay $0x1  }
0xa7: {  	s24 =	simm.s32 $0x1B8B  }
0xa8: {  	_ =	swait.ge [sflag:s24], $0x1  }
0xa9: {  	[sflag:s24] =	ssyncset.done $0x0  }
0xaa: {  	s25 =	simm.s32 $0x1B8E;
	[sflag:s24] =	ssyncadd.s32 $0xFFFFFFFF  }
0xab: {  	s26 =	simm.s32 $execute0_lowered;
	[smem:$0x3FD2] =	sst s25  }
0xac: {  	s6 =	sshll.u32 s26, $0x1;
	_ =	strace $0x80000046;
	[dreg:$0x1] =	wrdreg $0xFFFFFFFF  }
0xad: {  	s28 =	simm.s32 $_size_execute0_lowered;
	s5 =	sadd.s32 s5, s6;
	[dreg:$0x0] =	wrdreg $0x0  }
0xae: {  	s6 =	sshll.u32 s28, $0x1;
	[dreg:$0x2] =	wrdreg s5  }
0xaf: {  	[dreg:$0x3] =	wrdreg s6  }
0xb0: {  	[dreg:$0x4] =	wrdreg $0xC0  }
0xb1: {  	_ =	task [dreg:s9], $0x5FFFF  }
0xb2: {  	[dreg:$0x1] =	wrdreg $0xFFFFFFFF  }
0xb3: {  	[dreg:$0x0] =	wrdreg $0x60  }
0xb4: {  	[dreg:$0x2] =	wrdreg s19  }
0xb5: {  	[dreg:$0x3] =	wrdreg s17  }
0xb6: {  	[dreg:$0x4] =	wrdreg s18  }
0xb7: {  	[dreg:$0x5] =	wrdreg $0x9  }
0xb8: {  	_ =	task.clear_ibuf [dreg:s9], $0x6FFFF;
	_ =	strace $0x90000046  }
0xb9: {  	s29 =	simm.s32 $0x9;
	_ =	strace $0x80000048  }
0xba: {  	_ =	swait.ge [sflag:s29], $0x1  }
0xbb: {  	[sflag:s29] =	ssyncadd.s32 $0xFFFFFFFF  }
0xbc: {  	_ =	strace $0x90000048  }
0xbd: {  	_ =	sfence  }
0xbe: {  	s30 =	sld [smem:$0x0];
	_ =	sdelay $0x2  }
0xbf: {  	s31 =	sshll.u32 s1, $0xD;
	s1 =	sshrl.u32 s1, $0x2  }
0xc0: {  	s3 =	sand.u32 $0x4000, s31;
	s1 =	sadd.s32 s1, s30  }
0xc1: {  	s0 =	sor.u32 s3, s0;
	s1 =	sshll.u32 s1, $0x11  }
0xc2: {  	s0 =	sor.u32 s1, s0  }
0xc3: {  	s0 =	sadd.s32 $0x8F2B, s0  }
0xc4: {  	[sflag:s0] =	ssyncadd.remote.s32 $0x1  }
0xc5: {  	_ =	sfence.sel $0xFFFF  }
0xc6: {  	[dreg:$0x0] =	wrdreg $0xFFFFFFFF;
	(pc) =	sbr.abs _section_cstart, $3  }
0xc7: {  	[dreg:$0x1] =	wrdreg $0xFFFFFFFF  }
0xc8: {  	_ =	task.clear_ibuf [dreg:s9], $0x2FFFF;
	_ =	strace $0x9FFFFFFF  }
0xc9: {  	(tm) =	ssettm $0x7FFFFFFF  }
tec
execute0_lowered:
.L_overlay_start_1:
0x0: {  	(tag) =	ssettag $0x1  }
0x1: {  	s10 =	rddreg [dreg:$0x0]  }
0x2: {  	s1 =	srdreg.scid;
	s11 =	rddreg [dreg:$0x1]  }
0x3: {  	s0 =	stileid.u32;
	s13 =	rddreg [dreg:$0x2];
	s2 =	simm.s32 $0x0  }
0x4: {  	s16 =	simm.s32 $0x6000;
	s17 =	simm.s32 $0x8000;
	s18 =	simm.s32 $0xA000  }
0x5: {  	s19 =	simm.s32 $0xC000;
	s20 =	simm.s32 $0xE000;
	s21 =	simm.s32 $0x1  }
0x6: {  	s22 =	simm.s32 $0x10000;
	s23 =	simm.s32 $0x2;
	s24 =	simm.s32 $0x10800  }
0x7: {  	s3 =	sand.u32 $0x1, s1;
	s28 =	sshll.u32 s0, $0x1;
	s1 =	rddreg [dreg:$0x3]  }
0x8: {  	s25 =	simm.s32 $0x0;
	[smem:$0x7FF] =	sst s2;
	s12 =	sor.u32 s3, s28  }
0x9: {  	_ =	strace $0x80000047;
	s7 =	ssub.s32 $0x2, s3;
	s4 =	sshll.u32 s12, $0xD  }
0xa: {  	s5 =	sshll.u32 s12, $0x10;
	s30 =	sshrl.u32 s7, $0x1;
	s12 =	sshll.u32 s12, $0x8  }
0xb: {  	s6 =	sor.u32 s4, s5;
	s8 =	sand.u32 $0xE000, s4;
	s14 =	ssub.s32 s7, s30  }
0xc: {  	s11 =	sadd.s32 s11, s12;
	s12 =	sadd.s32 s13, s12;
	s6 =	sand.u32 $0x18E000, s6  }
0xd: {  	s31 =	sor.u32 s5, s8;
	s13 =	smax.u32 s14, $0x1;
	s29 =	sshrl.u32 s6, $0x3  }
0xe: {  	s14 =	simm.s32 $0x2000;
	s9 =	sshrl.u32 s31, $0x3;
	s3 =	sadd.s32 s10, s29  }
0xf: {  	s15 =	sor.u32 $0xE000, s9;
	s4 =	sadd.s32 $0x2000, s3;
	s5 =	sadd.s32 $0x4000, s3  }
0x10: {  	s6 =	sadd.s32 $0x6000, s3;
	s7 =	sadd.s32 $0x8000, s3;
	s8 =	sadd.s32 $0xA000, s3  }
0x11: {  	v0 =	vimm.s32 $0x0;
	s9 =	sadd.s32 $0xC000, s3;
	s10 =	sadd.s32 s10, s15;
	s15 =	simm.s32 $0x4000  }
.LBB2_1:
0x12: {  	[tilespmem:s2], [sflag:$0x1] =	stream.linear.gather [hbm4b:s3+s2], $0x2000, $0x38;
	[tilespmem:$0x11000] =	vst v63  }
0x13: {  	_ = 	snop  }
0x14: {  	[tilespmem:s14], [sflag:$0x1] =	stream.linear.gather [hbm4b:s4+s2], $0x2000, $0x38;
	[tilespmem:$0x11000] =	vst v63  }
0x15: {  	_ = 	snop  }
0x16: {  	[tilespmem:s15], [sflag:$0x1] =	stream.linear.gather [hbm4b:s5+s2], $0x2000, $0x38;
	[tilespmem:$0x11000] =	vst v63  }
0x17: {  	_ = 	snop  }
0x18: {  	[tilespmem:s16], [sflag:$0x1] =	stream.linear.gather [hbm4b:s6+s2], $0x2000, $0x38;
	[tilespmem:$0x11000] =	vst v63  }
0x19: {  	_ = 	snop  }
0x1a: {  	[tilespmem:s17], [sflag:$0x1] =	stream.linear.gather [hbm4b:s7+s2], $0x2000, $0x38;
	[tilespmem:$0x11000] =	vst v63  }
0x1b: {  	_ = 	snop  }
0x1c: {  	[tilespmem:s18], [sflag:$0x1] =	stream.linear.gather [hbm4b:s8+s2], $0x2000, $0x38;
	[tilespmem:$0x11000] =	vst v63  }
0x1d: {  	_ = 	snop  }
0x1e: {  	[tilespmem:s19], [sflag:$0x1] =	stream.linear.gather [hbm4b:s9+s2], $0x2000, $0x38;
	[tilespmem:$0x11000] =	vst v63  }
0x1f: {  	_ = 	snop  }
0x20: {  	[tilespmem:s20], [sflag:$0x1] =	stream.linear.gather [hbm4b:s10+s2], $0x2000, $0x38;
	[tilespmem:$0x11000] =	vst v63  }
0x21: {  	_ =	swait.ge [sflag:s21], $0x2000  }
0x22: {  	[sflag:s21] =	ssyncset.done $0x0  }
0x23: {  	[sflag:s21] =	ssyncadd.s32 $0xFFFFE000  }
0x24: {  	_ =	swait.ge [sflag:s21], $0x2000  }
0x25: {  	[sflag:s21] =	ssyncset.done $0x0  }
0x26: {  	[sflag:s21] =	ssyncadd.s32 $0xFFFFE000  }
0x27: {  	_ =	swait.ge [sflag:s21], $0x2000  }
0x28: {  	[sflag:s21] =	ssyncset.done $0x0  }
0x29: {  	[sflag:s21] =	ssyncadd.s32 $0xFFFFE000  }
0x2a: {  	_ =	swait.ge [sflag:s21], $0x2000  }
0x2b: {  	[sflag:s21] =	ssyncset.done $0x0  }
0x2c: {  	[sflag:s21] =	ssyncadd.s32 $0xFFFFE000  }
0x2d: {  	_ =	swait.ge [sflag:s21], $0x2000  }
0x2e: {  	[sflag:s21] =	ssyncset.done $0x0  }
0x2f: {  	[sflag:s21] =	ssyncadd.s32 $0xFFFFE000  }
0x30: {  	_ =	swait.ge [sflag:s21], $0x2000  }
0x31: {  	[sflag:s21] =	ssyncset.done $0x0  }
0x32: {  	[sflag:s21] =	ssyncadd.s32 $0xFFFFE000  }
0x33: {  	_ =	swait.ge [sflag:s21], $0x2000  }
0x34: {  	[sflag:s21] =	ssyncset.done $0x0  }
0x35: {  	[sflag:s21] =	ssyncadd.s32 $0xFFFFE000  }
0x36: {  	_ =	swait.ge [sflag:s21], $0x2000  }
0x37: {  	[sflag:s21] =	ssyncset.done $0x0  }
0x38: {  	s26 =	simm.s32 $0x0;
	s28 =	simm.s32 $0x0;
	[sflag:s21] =	ssyncadd.s32 $0xFFFFE000  }
.LBB2_2:
0x39: {  	s30 =	sshll.u32 s28, $0x7  }
0x3a: {  	s29 =	sand.u32 $0x70, s26;
	s30 =	sand.u32 $0x3FFFFC00, s30  }
0x3b: {  	s30 =	sor.u32 s29, s30  }
0x3c: {  	v1 =	vld [tilespmem:s30+$0x0]  }
0x3d: {  	v2 =	vld [tilespmem:s30+$0x80];
	_ =	sdelay $0x3  }
0x3e: {  	v3 =	vld [tilespmem:s30+$0x100];
	vm0 =	vgt.f32 v1, $-Inf  }
0x3f: {  	vm8 =	vlt.f32 v2, $-Inf;
	vm1 =	vgt.f32 v2, $-Inf;
	v1 =	vnsel vm0, $0xFF800000, v1  }
0x40: {  	vm0 =	vmor vm1, vm8;
	vm2 =	vgt.f32 v2, v1  }
0x41: {  	v5 =	vld [tilespmem:s30+$0x180];
	v4 =	vnsel vm0, $0xFF800000, v2;
	vm9 =	vmneg vm2  }
0x42: {  	v4 =	vsel vm9, v4, v1  }
0x43: {  	v1 =	vsel vm9, v1, v2;
	vm3 =	vgt.f32 v3, v4  }
0x44: {  	v33 =	vimm.s32 $0x0;
	v36 =	vld [tilespmem:s30+$0x200];
	vm10 =	vgt.f32 v3, v1;
	v2 =	vsel vm3, v3, v4  }
0x45: {  	v7 =	vsel vm2, $0x1, v0;
	vm0 =	vmand vm0, vm9;
	v2 =	vsel vm10, v1, v2  }
0x46: {  	v6 =	vsel vm0, $0x1, v0;
	v1 =	vsel vm10, v3, v1;
	vm11 =	vgt.f32 v5, v2  }
0x47: {  	v37 =	vld [tilespmem:s30+$0x280];
	v3 =	vsel vm3, $0x2, v6;
	vm12 =	vgt.f32 v5, v1;
	v2 =	vsel vm11, v5, v2  }
0x48: {  	v3 =	vsel vm10, v7, v3;
	v7 =	vsel vm10, $0x2, v7;
	v2 =	vsel vm12, v1, v2  }
0x49: {  	v3 =	vsel vm11, $0x3, v3;
	v1 =	vsel vm12, v5, v1;
	vm13 =	vgt.f32 v36, v2  }
0x4a: {  	v38 =	vld [tilespmem:s30+$0x300];
	v3 =	vsel vm12, v7, v3;
	vm14 =	vgt.f32 v36, v1;
	v2 =	vsel vm13, v36, v2  }
0x4b: {  	v7 =	vsel vm12, $0x3, v7;
	v3 =	vsel vm13, $0x4, v3;
	v2 =	vsel vm14, v1, v2  }
0x4c: {  	v1 =	vsel vm14, v36, v1;
	v3 =	vsel vm14, v7, v3;
	vm15 =	vgt.f32 v37, v2  }
0x4d: {  	v39 =	vld [tilespmem:s30+$0x380];
	v7 =	vsel vm14, $0x4, v7;
	vm4 =	vgt.f32 v37, v1;
	v2 =	vsel vm15, v37, v2  }
0x4e: {  	v36 =	vimm.s32 $0x0;
	v3 =	vsel vm15, $0x5, v3;
	v2 =	vsel vm4, v1, v2  }
0x4f: {  	v1 =	vsel vm4, v37, v1;
	v3 =	vsel vm4, v7, v3;
	vm5 =	vgt.f32 v38, v2  }
0x50: {  	v40 =	vld [tilespmem:s30+$0x2000];
	v7 =	vsel vm4, $0x5, v7;
	vm6 =	vgt.f32 v38, v1;
	v2 =	vsel vm5, v38, v2  }
0x51: {  	v3 =	vsel vm5, $0x6, v3;
	v2 =	vsel vm6, v1, v2;
	v1 =	vsel vm6, v38, v1  }
0x52: {  	v8 =	vld [tilespmem:s30+$0x4000];
	v3 =	vsel vm6, v7, v3;
	v7 =	vsel vm6, $0x6, v7;
	vm7 =	vgt.f32 v39, v2  }
0x53: {  	v38 =	vimm.s32 $0x0;
	vm8 =	vgt.f32 v39, v1;
	v2 =	vsel vm7, v39, v2  }
0x54: {  	v41 =	vld [tilespmem:s30+$0x2080];
	v3 =	vsel vm7, $0x7, v3;
	v2 =	vsel vm8, v1, v2;
	v1 =	vsel vm8, v39, v1  }
0x55: {  	v3 =	vsel vm8, v7, v3;
	v7 =	vsel vm8, $0x7, v7;
	vm9 =	vgt.f32 v40, v2  }
0x56: {  	v47 =	vld [tilespmem:s30+$0x4080];
	vm10 =	vgt.f32 v40, v1;
	v2 =	vsel vm9, v40, v2;
	v3 =	vsel vm9, $0x8, v3  }
0x57: {  	vm9 =	vlt.f32 v8, $-Inf;
	v2 =	vsel vm10, v1, v2;
	v1 =	vsel vm10, v40, v1  }
0x58: {  	v42 =	vld [tilespmem:s30+$0x2100];
	v3 =	vsel vm10, v7, v3;
	v7 =	vsel vm10, $0x8, v7;
	vm10 =	vgt.f32 v8, $-Inf  }
0x59: {  	v40 =	vimm.s32 $0x0;
	vm11 =	vgt.f32 v41, v2;
	vm12 =	vgt.f32 v41, v1  }
0x5a: {  	vm1 =	vmor vm10, vm9;
	v2 =	vsel vm11, v41, v2;
	v3 =	vsel vm11, $0x9, v3  }
0x5b: {  	vm11 =	vlt.f32 v47, $-Inf;
	v8 =	vnsel vm1, $0xFF800000, v8;
	v11 =	vsel vm1, $0x10, v0  }
0x5c: {  	v2 =	vsel vm12, v1, v2;
	v1 =	vsel vm12, v41, v1;
	v3 =	vsel vm12, v7, v3  }
0x5d: {  	v7 =	vsel vm12, $0x9, v7;
	vm12 =	vgt.f32 v47, $-Inf;
	vm13 =	vgt.f32 v42, v2  }
0x5e: {  	v43 =	vld [tilespmem:s30+$0x2180];
	vm14 =	vgt.f32 v42, v1;
	vm2 =	vmor vm12, vm11;
	v2 =	vsel vm13, v42, v2  }
0x5f: {  	v49 =	vld [tilespmem:s30+$0x4100];
	v3 =	vsel vm13, $0xA, v3;
	vm13 =	vgt.f32 v47, v8;
	v9 =	vnsel vm2, $0xFF800000, v47  }
0x60: {  	v50 =	vsel vm2, $0x11, v0;
	v2 =	vsel vm14, v1, v2;
	v1 =	vsel vm14, v42, v1  }
0x61: {  	v3 =	vsel vm14, v7, v3;
	v7 =	vsel vm14, $0xA, v7;
	v9 =	vsel vm13, v8, v9  }
0x62: {  	v44 =	vld [tilespmem:s30+$0x2200];
	v5 =	vsel vm13, v47, v8;
	v8 =	vsel vm13, v11, v50;
	v11 =	vsel vm13, $0x11, v11  }
0x63: {  	v50 =	vimm.s32 $0x0;
	vm15 =	vgt.f32 v43, v2;
	vm4 =	vgt.f32 v43, v1  }
0x64: {  	vm14 =	vgt.f32 v49, v9;
	v2 =	vsel vm15, v43, v2;
	v3 =	vsel vm15, $0xB, v3  }
0x65: {  	v45 =	vld [tilespmem:s30+$0x2280];
	vm15 =	vgt.f32 v49, v5;
	v9 =	vsel vm14, v49, v9;
	v51 =	vsel vm14, $0x12, v8  }
0x66: {  	v10 =	vld [tilespmem:s30+$0x4180];
	v2 =	vsel vm4, v1, v2;
	v1 =	vsel vm4, v43, v1;
	v3 =	vsel vm4, v7, v3  }
0x67: {  	v7 =	vsel vm4, $0xB, v7;
	v9 =	vsel vm15, v5, v9;
	vm5 =	vgt.f32 v44, v2  }
0x68: {  	v5 =	vsel vm15, v49, v5;
	vm6 =	vgt.f32 v44, v1;
	v2 =	vsel vm5, v44, v2  }
0x69: {  	v49 =	vimm.s32 $0x0;
	v3 =	vsel vm5, $0xC, v3;
	v2 =	vsel vm6, v1, v2  }
0x6a: {  	v46 =	vld [tilespmem:s30+$0x2300];
	v1 =	vsel vm6, v44, v1;
	v3 =	vsel vm6, v7, v3;
	v7 =	vsel vm6, $0xC, v7  }
0x6b: {  	v12 =	vld [tilespmem:s30+$0x4200];
	vm6 =	vgt.f32 v10, v9;
	vm7 =	vgt.f32 v45, v2;
	vm8 =	vgt.f32 v45, v1  }
0x6c: {  	v52 =	vsel vm6, v10, v9;
	v2 =	vsel vm7, v45, v2;
	v3 =	vsel vm7, $0xD, v3  }
0x6d: {  	v48 =	vsel vm8, $0xD, v7;
	vm7 =	vgt.f32 v10, v5;
	v2 =	vsel vm8, v1, v2  }
0x6e: {  	v3 =	vsel vm8, v7, v3;
	v1 =	vsel vm8, v45, v1;
	v54 =	vsel vm7, v5, v52  }
0x6f: {  	v5 =	vsel vm7, v10, v5;
	v45 =	vimm.s32 $0x0;
	v52 =	vimm.s32 $0x0  }
0x70: {  	v55 =	vld [tilespmem:s30+$0x2380];
	vm0 =	vgt.f32 v46, v1;
	vm4 =	vgt.f32 v46, v2;
	vm8 =	vgt.f32 v12, v54  }
0x71: {  	v53 =	vld [tilespmem:s30+$0x4280];
	vm9 =	vgt.f32 v12, v5;
	v2 =	vsel vm4, v46, v2;
	v3 =	vsel vm4, $0xE, v3  }
0x72: {  	v6 =	vsel vm0, v46, v1;
	v7 =	vsel vm8, v12, v54;
	v4 =	vsel vm0, $0xE, v48  }
0x73: {  	v46 =	vimm.s32 $0x0;
	v2 =	vsel vm0, v1, v2;
	v3 =	vsel vm0, v48, v3  }
0x74: {  	v1 =	vsel vm15, v11, v51;
	v11 =	vsel vm15, $0x12, v11;
	v7 =	vsel vm9, v5, v7  }
0x75: {  	v56 =	vld [tilespmem:s30+$0x4300];
	v5 =	vsel vm9, v12, v5;
	vm0 =	vgt.f32 v55, v6;
	v1 =	vsel vm6, $0x13, v1  }
0x76: {  	vm10 =	vgt.f32 v53, v7;
	vm11 =	vgt.f32 v53, v5;
	vm14 =	vgt.f32 v55, v2  }
0x77: {  	v1 =	vsel vm7, v11, v1;
	v11 =	vsel vm7, $0x13, v11;
	v7 =	vsel vm10, v53, v7  }
0x78: {  	v57 =	vld [tilespmem:s30+$0x4380];
	v2 =	vsel vm14, v55, v2;
	v3 =	vsel vm14, $0xF, v3;
	v1 =	vsel vm8, $0x14, v1  }
0x79: {  	v7 =	vsel vm11, v5, v7;
	v5 =	vsel vm11, v53, v5;
	v53 =	vimm.s32 $0x0  }
0x7a: {  	v1 =	vsel vm9, v11, v1;
	v11 =	vsel vm9, $0x14, v11;
	vm12 =	vgt.f32 v56, v7  }
0x7b: {  	vm13 =	vgt.f32 v56, v5;
	v1 =	vsel vm10, $0x15, v1;
	v7 =	vsel vm12, v56, v7  }
0x7c: {  	v58 =	vld [tilespmem:s30+$0x6000];
	v1 =	vsel vm11, v11, v1;
	v7 =	vsel vm13, v5, v7;
	v11 =	vsel vm11, $0x15, v11  }
0x7d: {  	v5 =	vsel vm13, v56, v5;
	v56 =	vimm.s32 $0x0;
	vm15 =	vgt.f32 v57, v7  }
0x7e: {  	v1 =	vsel vm12, $0x16, v1;
	vm6 =	vgt.f32 v57, v5;
	v7 =	vsel vm15, v57, v7  }
0x7f: {  	v59 =	vld [tilespmem:s30+$0x6080];
	v1 =	vsel vm13, v11, v1;
	v11 =	vsel vm13, $0x16, v11;
	v12 =	vsel vm6, v57, v5  }
0x80: {  	v57 =	vimm.s32 $0x0;
	v7 =	vsel vm6, v5, v7;
	v1 =	vsel vm15, $0x17, v1  }
0x81: {  	vm8 =	vgt.f32 v58, v12;
	v5 =	vsel vm0, v6, v2;
	v60 =	vsel vm6, $0x17, v11  }
0x82: {  	v6 =	vsel vm0, v55, v6;
	v55 =	vimm.s32 $0x0;
	vm7 =	vgt.f32 v58, v7  }
0x83: {  	v13 =	vld [tilespmem:s30+$0x6100];
	v1 =	vsel vm6, v11, v1;
	v9 =	vsel vm8, v58, v12;
	v7 =	vsel vm7, v58, v7  }
0x84: {  	v1 =	vsel vm7, $0x18, v1;
	vm10 =	vgt.f32 v59, v9;
	v2 =	vsel vm8, v12, v7  }
0x85: {  	v1 =	vsel vm8, v60, v1;
	v7 =	vsel vm8, $0x18, v60;
	vm9 =	vgt.f32 v59, v2  }
0x86: {  	v61 =	vld [tilespmem:s30+$0x6180];
	v2 =	vsel vm9, v59, v2;
	v62 =	vsel vm9, $0x19, v1;
	v1 =	vsel vm0, v4, v3  }
0x87: {  	v22 =	vld [tilespmem:s30+$0x8000];
	v2 =	vsel vm10, v9, v2;
	v9 =	vsel vm10, v59, v9;
	v3 =	vsel vm10, v7, v62  }
0x88: {  	v7 =	vsel vm10, $0x19, v7;
	v59 =	vimm.s32 $0x0;
	vm11 =	vgt.f32 v13, v2  }
0x89: {  	v63 =	vld [tilespmem:s30+$0x6200];
	v62 =	vimm.s32 $0x0;
	vm12 =	vgt.f32 v13, v9;
	v2 =	vsel vm11, v13, v2  }
0x8a: {  	v3 =	vsel vm11, $0x1A, v3;
	v2 =	vsel vm12, v9, v2;
	v9 =	vsel vm12, v13, v9  }
0x8b: {  	v23 =	vld [tilespmem:s30+$0x8080];
	v3 =	vsel vm12, v7, v3;
	v7 =	vsel vm12, $0x1A, v7;
	vm13 =	vgt.f32 v61, v2  }
0x8c: {  	vm12 =	vlt.f32 v22, $-Inf;
	vm14 =	vgt.f32 v61, v9;
	v2 =	vsel vm13, v61, v2  }
0x8d: {  	v17 =	vsel vm14, v61, v9;
	v3 =	vsel vm13, $0x1B, v3;
	vm13 =	vgt.f32 v22, $-Inf  }
0x8e: {  	v16 =	vld [tilespmem:s30+$0x6280];
	v61 =	vimm.s32 $0x0;
	v2 =	vsel vm14, v9, v2;
	vm5 =	vgt.f32 v63, v17  }
0x8f: {  	v3 =	vsel vm14, v7, v3;
	v7 =	vsel vm14, $0x1B, v7;
	vm2 =	vmor vm13, vm12  }
0x90: {  	vm14 =	vlt.f32 v23, $-Inf;
	vm15 =	vgt.f32 v63, v2;
	v8 =	vsel vm5, v63, v17  }
0x91: {  	v10 =	vnsel vm2, $0xFF800000, v22;
	v27 =	vsel vm2, $0x20, v0;
	v22 =	vimm.s32 $0x0  }
0x92: {  	v18 =	vsel vm15, v63, v2;
	v2 =	vsel vm0, $0xF, v4;
	v3 =	vsel vm15, $0x1C, v3  }
0x93: {  	v19 =	vld [tilespmem:s30+$0x6300];
	vm7 =	vgt.f32 v16, v8;
	vm15 =	vgt.f32 v23, $-Inf;
	v20 =	vsel vm5, v17, v18  }
0x94: {  	v3 =	vsel vm5, v7, v3;
	v7 =	vsel vm5, $0x1C, v7;
	vm6 =	vgt.f32 v16, v20  }
0x95: {  	v4 =	vsel vm6, v16, v20;
	v3 =	vsel vm6, $0x1D, v3;
	vm6 =	vmor vm15, vm14  }
0x96: {  	v20 =	vimm.s32 $0x0;
	v4 =	vsel vm7, v8, v4;
	v8 =	vsel vm7, v16, v8  }
0x97: {  	v25 =	vld [tilespmem:s30+$0x8100];
	v3 =	vsel vm7, v7, v3;
	v7 =	vsel vm7, $0x1D, v7;
	vm7 =	vgt.f32 v23, v10  }
0x98: {  	v14 =	vnsel vm6, $0xFF800000, v23;
	v28 =	vsel vm6, $0x21, v0;
	vm8 =	vgt.f32 v19, v4  }
0x99: {  	v21 =	vld [tilespmem:s30+$0x6380];
	vm9 =	vgt.f32 v19, v8;
	v26 =	vsel vm7, v10, v14;
	v10 =	vsel vm7, v23, v10  }
0x9a: {  	v12 =	vsel vm7, v27, v28;
	v11 =	vsel vm7, $0x21, v27;
	v27 =	vimm.s32 $0x0  }
0x9b: {  	v15 =	vld [tilespmem:s30+$0x8180];
	v4 =	vsel vm8, v19, v4;
	v3 =	vsel vm8, $0x1E, v3;
	v24 =	vsel vm9, $0x1E, v7  }
0x9c: {  	v16 =	vld [tilespmem:s30+$0xC000];
	vm8 =	vgt.f32 v25, v26;
	v4 =	vsel vm9, v8, v4;
	v3 =	vsel vm9, v7, v3  }
0x9d: {  	v8 =	vsel vm9, v19, v8;
	vm9 =	vgt.f32 v25, v10;
	v9 =	vsel vm8, v25, v26  }
0x9e: {  	v12 =	vsel vm8, $0x22, v12;
	vm10 =	vgt.f32 v21, v4;
	vm11 =	vgt.f32 v21, v8  }
0x9f: {  	v9 =	vsel vm9, v10, v9;
	v10 =	vsel vm9, v25, v10;
	v12 =	vsel vm9, v11, v12  }
0xa0: {  	v31 =	vld [tilespmem:s30+$0xC080];
	v11 =	vsel vm9, $0x22, v11;
	v25 =	vimm.s32 $0x0;
	v4 =	vsel vm10, v21, v4  }
0xa1: {  	v3 =	vsel vm10, $0x1F, v3;
	vm10 =	vgt.f32 v15, v9;
	vm8 =	vlt.f32 v16, $-Inf  }
0xa2: {  	vm9 =	vgt.f32 v16, $-Inf;
	v7 =	vsel vm11, v8, v4;
	v3 =	vsel vm11, v24, v3  }
0xa3: {  	v29 =	vld [tilespmem:s30+$0x8200];
	v8 =	vsel vm11, v21, v8;
	v4 =	vsel vm11, $0x1F, v24;
	vm11 =	vgt.f32 v15, v10  }
0xa4: {  	v9 =	vsel vm10, v15, v9;
	v12 =	vsel vm10, $0x23, v12;
	vm1 =	vmor vm9, vm8  }
0xa5: {  	vm10 =	vlt.f32 v31, $-Inf;
	v24 =	vimm.s32 $0x0;
	v9 =	vsel vm11, v10, v9  }
0xa6: {  	v12 =	vsel vm11, v11, v12;
	v10 =	vsel vm11, v15, v10;
	v11 =	vsel vm11, $0x23, v11  }
0xa7: {  	v35 =	vld [tilespmem:s30+$0xC100];
	vm11 =	vgt.f32 v31, $-Inf;
	v16 =	vnsel vm1, $0xFF800000, v16;
	v26 =	vsel vm1, $0x30, v0  }
0xa8: {  	v30 =	vld [tilespmem:s30+$0x8280];
	vm12 =	vgt.f32 v29, v9;
	vm13 =	vgt.f32 v29, v10;
	vm0 =	vmor vm11, vm10  }
0xa9: {  	vm9 =	vgt.f32 v31, v16;
	v9 =	vsel vm12, v29, v9;
	v32 =	vsel vm12, $0x24, v12  }
0xaa: {  	v18 =	vnsel vm0, $0xFF800000, v31;
	v15 =	vsel vm9, v31, v16;
	v31 =	vimm.s32 $0x0  }
0xab: {  	v17 =	vsel vm13, v10, v9;
	v10 =	vsel vm13, v29, v10;
	v12 =	vsel vm13, v11, v32  }
0xac: {  	v34 =	vld [tilespmem:s30+$0x8300];
	v9 =	vsel vm13, $0x24, v11;
	v18 =	vsel vm9, v16, v18;
	vm13 =	vgt.f32 v35, v15  }
0xad: {  	v29 =	vimm.s32 $0x0;
	vm14 =	vgt.f32 v30, v10;
	vm15 =	vgt.f32 v30, v17  }
0xae: {  	v19 =	vld [tilespmem:s30+$0xC180];
	vm5 =	vgt.f32 v35, v18;
	v14 =	vsel vm13, v35, v15;
	v11 =	vsel vm14, $0xFFFFFFFF, v33  }
0xaf: {  	v17 =	vsel vm15, v30, v17;
	v13 =	vsel vm14, v30, v10;
	v16 =	vsel vm5, $0xFFFFFFFF, v38  }
0xb0: {  	v37 =	vld [tilespmem:s30+$0x8380];
	v18 =	vsel vm5, v35, v18;
	v30 =	vimm.s32 $0x0;
	v33 =	vimm.s32 $0x0  }
0xb1: {  	v10 =	vsel vm14, v10, v17;
	vm12 =	vgt.f32 v34, v13;
	v43 =	vsel vm13, v15, v18  }
0xb2: {  	[tilespmem:$0x1FDA0] =	vst v11;
	v17 =	vsel vm12, $0xFFFFFFFF, v36;
	vm4 =	vgt.f32 v34, v10;
	v11 =	vsel vm12, v34, v13  }
0xb3: {  	vm14 =	vgt.f32 v19, v43;
	v36 =	vimm.s32 $0x0;
	v20 =	vsel vm4, $0xFFFFFFFF, v20  }
0xb4: {  	v39 =	vsel vm4, v34, v10;
	v10 =	vsel vm13, $0xFFFFFFFF, v40;
	v15 =	vsel vm14, $0xFFFFFFFF, v45  }
0xb5: {  	vm4 =	vgt.f32 v19, v14;
	v47 =	vsel vm14, v19, v43;
	vm7 =	vgt.f32 v37, v11  }
0xb6: {  	v41 =	vld [tilespmem:s30+$0xC200];
	v40 =	vimm.s32 $0x0;
	v43 =	vimm.s32 $0x0;
	[tilespmem:$0x1FD80] =	vst v10;
	v42 =	vsel vm12, v13, v39  }
0xb7: {  	v44 =	vld [tilespmem:s30+$0xA000];
	v10 =	vsel vm15, $0x25, v12;
	[tilespmem:$0x1FD90] =	vst v15;
	v18 =	vsel vm7, $0xFFFFFFFF, v49;
	vm15 =	vgt.f32 v37, v42  }
0xb8: {  	v49 =	vimm.s32 $0x0;
	[tilespmem:$0x1FE40] =	vst v18;
	v18 =	vsel vm4, $0xFFFFFFFF, v50;
	v15 =	vsel vm15, $0xFFFFFFFF, v46  }
0xb9: {  	v12 =	vsel vm15, v37, v42;
	v46 =	vimm.s32 $0x0;
	[tilespmem:$0x1FE20] =	vst v15;
	v15 =	vsel vm4, v14, v47  }
0xba: {  	v12 =	vsel vm7, v11, v12;
	v14 =	vsel vm4, v19, v14;
	v11 =	vsel vm7, v37, v11  }
0xbb: {  	v48 =	vld [tilespmem:s30+$0xC280];
	v37 =	vimm.s32 $0x0;
	vm8 =	vgt.f32 v41, v15;
	vm4 =	vgt.f32 v41, v14  }
0xbc: {  	v51 =	vld [tilespmem:s30+$0xA080];
	vm2 =	vgt.f32 v44, v11;
	vm10 =	vgt.f32 v44, v12;
	v19 =	vsel vm8, $0xFFFFFFFF, v52  }
0xbd: {  	[tilespmem:$0x1FE00] =	vst v17;
	v17 =	vsel vm4, $0xFFFFFFFF, v53;
	v15 =	vsel vm8, v41, v15;
	v12 =	vsel vm10, v44, v12  }
0xbe: {  	[tilespmem:$0x1FDC0] =	vst v19;
	v19 =	vsel vm2, $0xFFFFFFFF, v55;
	v15 =	vsel vm4, v14, v15;
	v14 =	vsel vm4, v41, v14  }
0xbf: {  	v12 =	vsel vm2, v11, v12;
	v11 =	vsel vm2, v44, v11;
	v41 =	vimm.s32 $0x0  }
0xc0: {  	v44 =	vsel vm0, $0x31, v0;
	vm2 =	vgt.f32 v8, v6;
	[tilespmem:$0x1FE80] =	vst v19;
	v19 =	vsel vm10, $0xFFFFFFFF, v56  }
0xc1: {  	vm11 =	vgt.f32 v48, v15;
	vm12 =	vgt.f32 v48, v14;
	vm13 =	vgt.f32 v51, v12  }
0xc2: {  	v54 =	vld [tilespmem:s30+$0xC300];
	vm15 =	vgt.f32 v51, v11;
	v53 =	vsel vm9, v26, v44;
	v56 =	vimm.s32 $0x0  }
0xc3: {  	v60 =	vld [tilespmem:s30+$0xA100];
	v5 =	vsel vm2, v7, v5;
	[tilespmem:$0x1FE60] =	vst v19;
	v19 =	vsel vm11, $0xFFFFFFFF, v57;
	v15 =	vsel vm11, v48, v15  }
0xc4: {  	[tilespmem:$0x1FDD0] =	vst v20;
	v20 =	vsel vm12, $0xFFFFFFFF, v59;
	v12 =	vsel vm13, v51, v12;
	v57 =	vimm.s32 $0x0  }
0xc5: {  	[tilespmem:$0x1FE10] =	vst v20;
	v15 =	vsel vm12, v14, v15;
	v20 =	vsel vm13, $0xFFFFFFFF, v61;
	v14 =	vsel vm12, v48, v14  }
0xc6: {  	v12 =	vsel vm15, v11, v12;
	v11 =	vsel vm15, v51, v11;
	v48 =	vimm.s32 $0x0  }
0xc7: {  	v58 =	vld [tilespmem:s30+$0xC380];
	v51 =	vimm.s32 $0x0;
	[tilespmem:$0x1FEA0] =	vst v20;
	vm14 =	vgt.f32 v54, v15;
	v20 =	vsel vm15, $0xFFFFFFFF, v24  }
0xc8: {  	v21 =	vld [tilespmem:s30+$0xA180];
	[tilespmem:$0x1FD70] =	vst v16;
	vm3 =	vgt.f32 v54, v14;
	vm6 =	vgt.f32 v60, v12;
	vm8 =	vgt.f32 v60, v11  }
0xc9: {  	v16 =	vsel vm14, $0xFFFFFFFF, v62;
	v15 =	vsel vm14, v54, v15;
	[tilespmem:$0x1FEC0] =	vst v20;
	v20 =	vsel vm3, $0xFFFFFFFF, v25  }
0xca: {  	[tilespmem:$0x1FDB0] =	vst v18;
	v18 =	vsel vm6, $0xFFFFFFFF, v29;
	v12 =	vsel vm6, v60, v12;
	v15 =	vsel vm3, v14, v15  }
0xcb: {  	v14 =	vsel vm3, v54, v14;
	v12 =	vsel vm8, v11, v12;
	v11 =	vsel vm8, v60, v11  }
0xcc: {  	v63 =	vld [tilespmem:s30+$0xE000];
	[tilespmem:$0x1FE50] =	vst v20;
	v54 =	vimm.s32 $0x0;
	v20 =	vsel vm9, $0x31, v26;
	vm5 =	vgt.f32 v58, v15  }
0xcd: {  	v32 =	vld [tilespmem:s30+$0xA200];
	[tilespmem:$0x1FDE0] =	vst v17;
	vm7 =	vgt.f32 v58, v14;
	vm11 =	vgt.f32 v21, v12;
	vm1 =	vgt.f32 v21, v11  }
0xce: {  	[tilespmem:$0x1FED0] =	vst v18;
	v17 =	vsel vm5, $0xFFFFFFFF, v27;
	v15 =	vsel vm5, v58, v15;
	v18 =	vsel vm7, $0xFFFFFFFF, v30  }
0xcf: {  	v22 =	vsel vm11, $0xFFFFFFFF, v22;
	v12 =	vsel vm11, v21, v12;
	v15 =	vsel vm7, v14, v15  }
0xd0: {  	v28 =	vld [tilespmem:s30+$0xE080];
	[tilespmem:$0x1FE90] =	vst v18;
	v18 =	vsel vm8, $0xFFFFFFFF, v31;
	v14 =	vsel vm7, v58, v14;
	v12 =	vsel vm1, v11, v12  }
0xd1: {  	v11 =	vsel vm1, v21, v11;
	v58 =	vimm.s32 $0x0;
	vm10 =	vgt.f32 v63, v15  }
0xd2: {  	v39 =	vld [tilespmem:s30+$0xA280];
	vm15 =	vgt.f32 v63, v14;
	vm13 =	vgt.f32 v32, v12;
	vm5 =	vgt.f32 v32, v11  }
0xd3: {  	v34 =	vld [tilespmem:s30+$0xE100];
	[tilespmem:$0x1FDF0] =	vst v19;
	v19 =	vsel vm10, $0xFFFFFFFF, v33;
	v15 =	vsel vm10, v63, v15;
	v21 =	vsel vm13, $0xFFFFFFFF, v40  }
0xd4: {  	v12 =	vsel vm13, v32, v12;
	v35 =	vsel vm15, v14, v15;
	v14 =	vsel vm15, v63, v14  }
0xd5: {  	v15 =	vsel vm1, $0xFFFFFFFF, v36;
	[tilespmem:$0x1FF40] =	vst v21;
	v21 =	vsel vm5, $0xFFFFFFFF, v43;
	vm12 =	vgt.f32 v28, v35  }
0xd6: {  	v38 =	vld [tilespmem:s30+$0xE180];
	v12 =	vsel vm5, v11, v12;
	vm14 =	vgt.f32 v28, v14;
	v13 =	vsel vm12, v28, v35  }
0xd7: {  	v11 =	vsel vm5, v32, v11;
	vm7 =	vgt.f32 v39, v12;
	v13 =	vsel vm14, v14, v13  }
0xd8: {  	v45 =	vld [tilespmem:s30+$0xA300];
	vm13 =	vgt.f32 v39, v11;
	v14 =	vsel vm14, v28, v14;
	vm4 =	vgt.f32 v34, v13  }
0xd9: {  	v42 =	vld [tilespmem:s30+$0xE200];
	[tilespmem:$0x1FF20] =	vst v15;
	v15 =	vsel vm12, $0xFFFFFFFF, v37;
	vm12 =	vgt.f32 v34, v14;
	v13 =	vsel vm4, v34, v13  }
0xda: {  	[tilespmem:$0x1FEB0] =	vst v19;
	v19 =	vsel vm7, $0xFFFFFFFF, v48;
	v12 =	vsel vm7, v39, v12;
	v13 =	vsel vm12, v14, v13  }
0xdb: {  	v12 =	vsel vm13, v11, v12;
	v14 =	vsel vm12, v34, v14;
	vm6 =	vgt.f32 v38, v13  }
0xdc: {  	v47 =	vld [tilespmem:s30+$0xE280];
	v11 =	vsel vm13, v39, v11;
	vm11 =	vgt.f32 v38, v14;
	v13 =	vsel vm6, v38, v13  }
0xdd: {  	[tilespmem:$0x1FE70] =	vst v17;
	vm8 =	vgt.f32 v45, v11;
	v17 =	vsel vm4, $0xFFFFFFFF, v41;
	v13 =	vsel vm11, v14, v13  }
0xde: {  	v52 =	vld [tilespmem:s30+$0xA380];
	vm4 =	vgt.f32 v45, v12;
	v14 =	vsel vm11, v38, v14;
	vm10 =	vgt.f32 v42, v13  }
0xdf: {  	v50 =	vld [tilespmem:s30+$0xE300];
	[tilespmem:$0x1FEE0] =	vst v15;
	v15 =	vsel vm10, $0xFFFFFFFF, v49;
	v13 =	vsel vm10, v42, v13;
	vm10 =	vgt.f32 v42, v14  }
0xe0: {  	[tilespmem:$0x1FF70] =	vst v19;
	v19 =	vsel vm4, $0xFFFFFFFF, v51;
	v12 =	vsel vm4, v45, v12;
	v13 =	vsel vm10, v14, v13  }
0xe1: {  	v12 =	vsel vm8, v11, v12;
	v14 =	vsel vm10, v42, v14;
	vm5 =	vgt.f32 v47, v13  }
0xe2: {  	v55 =	vld [tilespmem:s30+$0xE380];
	v11 =	vsel vm8, v45, v11;
	vm7 =	vgt.f32 v47, v14;
	v13 =	vsel vm5, v47, v13  }
0xe3: {  	[tilespmem:$0x1FEF0] =	vst v18;
	v18 =	vsel vm6, $0xFFFFFFFF, v46;
	vm9 =	vgt.f32 v52, v12;
	v13 =	vsel vm7, v14, v13  }
0xe4: {  	v12 =	vsel vm9, v52, v12;
	v14 =	vsel vm7, v47, v14;
	vm6 =	vgt.f32 v50, v13  }
0xe5: {  	[tilespmem:$0x1FF10] =	vst v17;
	v17 =	vsel vm5, $0xFFFFFFFF, v54;
	vm5 =	vgt.f32 v50, v14;
	v13 =	vsel vm6, v50, v13  }
0xe6: {  	[tilespmem:$0x1FF30] =	vst v18;
	v18 =	vsel vm6, $0xFFFFFFFF, v56;
	vm6 =	vgt.f32 v52, v11;
	v13 =	vsel vm5, v14, v13  }
0xe7: {  	[tilespmem:$0x1FFA0] =	vst v18;
	v18 =	vsel vm9, $0xFFFFFFFF, v57;
	v14 =	vsel vm5, v50, v14;
	vm9 =	vgt.f32 v55, v13  }
0xe8: {  	v12 =	vsel vm6, v11, v12;
	vm4 =	vgt.f32 v55, v14;
	v13 =	vsel vm9, v55, v13  }
0xe9: {  	v11 =	vsel vm6, v52, v11;
	v13 =	vsel vm4, v14, v13;
	v14 =	vsel vm4, v55, v14  }
0xea: {  	v59 =	vsel vm2, v8, v6;
	[tilespmem:$0x1FF50] =	vst v15;
	v15 =	vsel vm9, $0xFFFFFFFF, v58;
	vm9 =	vgt.f32 v14, v11  }
0xeb: {  	v6 =	vsel vm2, v6, v8;
	v60 =	vsel vm9, v11, v14;
	v11 =	vsel vm9, v14, v11;
	v14 =	vld [tilespmem:$0x1FD70]  }
0xec: {  	v62 =	vimm.s32 $0x0;
	vm1 =	vgt.f32 v6, v5;
	[tilespmem:$0x1FF80] =	vst v17;
	v17 =	vld [tilespmem:$0x1FD80];
	v61 =	vsel vm9, v13, v12  }
0xed: {  	v23 =	vld [tilespmem:$0x1FDD0];
	v63 =	vimm.s32 $0x0;
	v5 =	vsel vm1, v6, v5;
	vm0 =	vgt.f32 v60, v61  }
0xee: {  	v24 =	vld [tilespmem:$0x1FDE0];
	[tilespmem:$0x1FE30] =	vst v16;
	v12 =	vsel vm1, $0xFFFFFFFF, v62;
	vm3 =	vgt.f32 v11, v59;
	v13 =	vsel vm0, v60, v61  }
0xef: {  	v25 =	vld [tilespmem:$0x1FDF0];
	[tilespmem:$0x1FFD0] =	vst v12;
	v12 =	vsel vm0, $0xFFFFFFFF, v63;
	v16 =	vsel vm3, v59, v11;
	v5 =	vsel vm3, v13, v5  }
0xf0: {  	[tilespmem:$0x1FF90] =	vst v19;
	v19 =	vld [tilespmem:$0x1FD90];
	v11 =	vsel vm3, v11, v59;
	vm1 =	vgt.f32 v16, v5;
	vm0 =	vnez.u8 v14  }
0xf1: {  	[tilespmem:$0x1FF60] =	vst v21;
	v21 =	vld [tilespmem:$0x1FDB0];
	v5 =	vsel vm1, v16, v5;
	v7 =	vsel vm0, $0x32, v53;
	vm0 =	vnez.u8 v17  }
0xf2: {  	v5 =	vsub.f32 v5, v11;
	v7 =	vsel vm0, v20, v7;
	v8 =	vsel vm0, $0x32, v20;
	v20 =	vld [tilespmem:$0x1FDA0]  }
0xf3: {  	[tilespmem:$0x1FF00] =	vst v22;
	v22 =	vld [tilespmem:$0x1FDC0]  }
0xf4: {  	v26 =	vld [tilespmem:$0x1FE00];
	[tilespmem:$0x1FFB0] =	vst v18;
	v18 =	vimm.s32 $0x0;
	v5 =	vmul.f32 $1.442695020e+00, v5  }
0xf5: {  	v1 =	vsel vm2, v3, v1;
	v27 =	vld [tilespmem:$0x1FE10];
	[tilespmem:$0x1FFE0] =	vst v12;
	v12 =	vsel vm1, $0xFFFFFFFF, v18;
	vm0 =	vnez.u8 v19  }
0xf6: {  	v30 =	vld [tilespmem:$0x1FE30];
	vm1 =	vnez.u8 v21;
	v7 =	vsel vm0, $0x33, v7;
	(erf) = vpow2.f32 v5  }
0xf7: {  	v31 =	vld [tilespmem:$0x1FE40];
	v58 =	vsel vm2, v4, v2;
	v7 =	vsel vm1, v8, v7;
	vm0 =	vnez.u8 v20  }
0xf8: {  	v28 =	vld [tilespmem:$0x1FE20];
	v6 =	vsel vm0, v9, v10;
	v9 =	vsel vm0, $0x25, v9;
	vm0 =	vnez.u8 v22  }
0xf9: {  	v33 =	vld [tilespmem:$0x1FE60];
	v8 =	vsel vm1, $0x33, v8;
	v7 =	vsel vm0, $0x34, v7;
	vm0 =	vnez.u8 v23  }
0xfa: {  	v32 =	vld [tilespmem:$0x1FE50];
	vm1 =	vnez.u8 v27;
	v6 =	vsel vm0, $0x26, v6;
	vm0 =	vnez.u8 v24  }
0xfb: {  	v40 =	vld [tilespmem:$0x1FED0];
	v7 =	vsel vm0, v8, v7;
	v8 =	vsel vm0, $0x34, v8;
	vm0 =	vnez.u8 v25  }
0xfc: {  	v36 =	vld [tilespmem:$0x1FE90];
	v7 =	vsel vm0, $0x35, v7;
	vm0 =	vnez.u8 v26;
	v29 =	vsel vm1, $0x35, v8  }
0xfd: {  	v34 =	vld [tilespmem:$0x1FE70];
	v6 =	vsel vm0, v9, v6;
	v9 =	vsel vm0, $0x26, v9;
	vm0 =	vnez.u8 v28  }
0xfe: {  	v35 =	vld [tilespmem:$0x1FE80];
	v5 =	vsel vm1, v8, v7;
	v6 =	vsel vm0, $0x27, v6;
	vm0 =	vnez.u8 v30  }
0xff: {  	v37 =	vld [tilespmem:$0x1FEA0];
	vm1 =	vnez.u8 v32;
	v45 =	vpop (erf);
	v5 =	vsel vm0, $0x36, v5;
	vm0 =	vnez.u8 v31  }
0x100: {  	v38 =	vld [tilespmem:$0x1FEB0];
	v7 =	vsel vm1, $0x36, v29;
	v47 =	vadd.f32 $1.000000000e+00, v45;
	v6 =	vsel vm0, v9, v6  }
0x101: {  	v39 =	vld [tilespmem:$0x1FEC0];
	v8 =	vsel vm0, $0x27, v9;
	v5 =	vsel vm1, v29, v5;
	vm0 =	vnez.u8 v33  }
0x102: {  	v43 =	vld [tilespmem:$0x1FF00];
	vm1 =	vnez.u8 v36;
	v6 =	vsel vm0, $0x28, v6;
	vm0 =	vnez.u8 v34  }
0x103: {  	v41 =	vld [tilespmem:$0x1FEE0];
	(erf) = vrcp.f32 v47;
	v5 =	vsel vm0, $0x37, v5;
	vm0 =	vnez.u8 v35  }
0x104: {  	v42 =	vld [tilespmem:$0x1FEF0];
	v6 =	vsel vm0, v8, v6;
	v8 =	vsel vm0, $0x28, v8;
	vm0 =	vnez.u8 v37  }
0x105: {  	v44 =	vld [tilespmem:$0x1FF10];
	v5 =	vsel vm1, v7, v5;
	v6 =	vsel vm0, $0x29, v6;
	vm0 =	vnez.u8 v38  }
0x106: {  	v46 =	vld [tilespmem:$0x1FF20];
	v7 =	vsel vm1, $0x37, v7;
	v5 =	vsel vm0, $0x38, v5;
	vm0 =	vnez.u8 v39  }
0x107: {  	v48 =	vld [tilespmem:$0x1FF30];
	v6 =	vsel vm0, v8, v6;
	v8 =	vsel vm0, $0x29, v8;
	v5 =	vsel vm15, v7, v5  }
0x108: {  	v49 =	vld [tilespmem:$0x1FF40];
	vm0 =	vnez.u8 v40;
	v7 =	vsel vm15, $0x38, v7;
	vm15 =	vnez.u8 v41  }
0x109: {  	v50 =	vld [tilespmem:$0x1FF50];
	v6 =	vsel vm0, $0x2A, v6;
	v5 =	vsel vm15, $0x39, v5;
	vm15 =	vnez.u8 v42  }
0x10a: {  	v52 =	vld [tilespmem:$0x1FF70];
	v2 =	vsel vm2, v2, v4;
	v6 =	vsel vm15, v8, v6;
	v8 =	vsel vm15, $0x2A, v8  }
0x10b: {  	v53 =	vld [tilespmem:$0x1FF80];
	v5 =	vsel vm14, v7, v5;
	vm15 =	vnez.u8 v43;
	v7 =	vsel vm14, $0x39, v7  }
0x10c: {  	v51 =	vld [tilespmem:$0x1FF60];
	vm14 =	vnez.u8 v44;
	v6 =	vsel vm15, $0x2B, v6;
	vm15 =	vnez.u8 v46  }
0x10d: {  	v54 =	vld [tilespmem:$0x1FF90];
	v5 =	vsel vm14, $0x3A, v5;
	vm14 =	vnez.u8 v49;
	v6 =	vsel vm15, v8, v6  }
0x10e: {  	v56 =	vld [tilespmem:$0x1FFB0];
	v5 =	vsel vm12, v7, v5;
	v7 =	vsel vm12, $0x3A, v7;
	vm12 =	vnez.u8 v48  }
0x10f: {  	[tilespmem:$0x1FFC0] =	vst v15;
	v55 =	vld [tilespmem:$0x1FFA0];
	v8 =	vsel vm15, $0x2B, v8;
	vm15 =	vnez.u8 v50;
	v5 =	vsel vm12, $0x3B, v5  }
0x110: {  	v57 =	vld [tilespmem:$0x1FFC0];
	v6 =	vsel vm14, $0x2C, v6;
	vm12 =	vnez.u8 v52;
	vm14 =	vnez.u8 v53  }
0x111: {  	v61 =	vld [tilespmem:$0x1FFD0];
	v3 =	vpop (erf);
	v5 =	vsel vm11, v7, v5;
	v7 =	vsel vm11, $0x3B, v7;
	vm11 =	vnez.u8 v51  }
0x112: {  	v62 =	vld [tilespmem:$0x1FFE0];
	v60 =	vmul.f32 v3, v45;
	v5 =	vsel vm15, $0x3C, v5;
	v6 =	vsel vm11, v8, v6  }
0x113: {  	v8 =	vsel vm11, $0x2C, v8;
	vm15 =	vnez.u8 v54;
	vm11 =	vnez.u8 v56  }
0x114: {  	v6 =	vsel vm12, $0x2D, v6;
	v5 =	vsel vm10, v7, v5;
	v7 =	vsel vm10, $0x3C, v7  }
0x115: {  	vm10 =	vnez.u8 v55;
	vm12 =	vnez.u8 v57;
	v5 =	vsel vm14, $0x3D, v5  }
0x116: {  	v6 =	vsel vm13, v8, v6;
	v8 =	vsel vm13, $0x2D, v8;
	vm13 =	vnez.u8 v61  }
0x117: {  	[tilespmem:$0x1FFF0] =	vst v12;
	vm14 =	vnez.u8 v62;
	v6 =	vsel vm15, $0x2E, v6;
	v5 =	vsel vm7, v7, v5  }
0x118: {  	v63 =	vld [tilespmem:$0x1FFF0];
	v7 =	vsel vm7, $0x3D, v7;
	v5 =	vsel vm10, $0x3E, v5;
	v6 =	vsel vm8, v8, v6  }
0x119: {  	v8 =	vsel vm8, $0x2E, v8;
	v6 =	vsel vm11, $0x2F, v6;
	v5 =	vsel vm5, v7, v5  }
0x11a: {  	s31 =	sshll.u32 s28, $0x5;
	v7 =	vsel vm5, $0x3E, v7;
	v5 =	vsel vm12, $0x3F, v5;
	v6 =	vsel vm6, v8, v6  }
0x11b: {  	p0 =	sne.s32 s28, $0x3F;
	s30 =	sand.u32 $0xFFFFFF00, s31;
	v8 =	vsel vm6, $0x2F, v8;
	v5 =	vsel vm4, v7, v5;
	v7 =	vsel vm4, $0x3F, v7  }
.Ltmp0:
0x11c: {  	s29 =	sor.u32 s29, s30;
	v1 =	vsel vm13, v2, v1;
	v59 =	vsel vm9, v8, v7;
	v5 =	vsel vm9, v5, v6;
	(pc) =	sbr.rel @p0 .LBB2_2-.Ltmp0, $4  }
0x11d: {  	[tilespmem:s29+$0x10000] =	vst v3;
	vm15 =	vnez.u8 v63;
	v2 =	vsel vm9, v7, v8;
	v4 =	vsel vm14, v59, v5  }
0x11e: {  	[tilespmem:s29+$0x10080] =	vst v60;
	v3 =	vsel vm3, v2, v58;
	v2 =	vsel vm3, v58, v2;
	v1 =	vsel vm3, v4, v1  }
0x11f: {  	[tilespmem:s29+$0x10800] =	vst v3;
	v1 =	vsel vm15, v2, v1  }
0x120: {  	s26 =	sadd.s32 $0x10, s26;
	s28 =	sadd.s32 $0x1, s28;
	[tilespmem:s29+$0x10880] =	vst v1  }
0x121: {  	[hbm4b:s11+s2] =	stream.linear.scatter [tilespmem:s22], [sflag:$0x2], $0x800, $0x38;
	[tilespmem:$0x11000] =	vst v63  }
0x122: {  	s25 =	sadd.s32 $0x1, s25;
	_ =	swait.ge [sflag:s23], $0x800  }
0x123: {  	p0 =	sne.s32 s25, s13;
	[sflag:s23] =	ssyncset.done $0x0  }
.Ltmp1:
0x124: {  	[sflag:s23] =	ssyncadd.s32 $0xFFFFF800;
	(pc) =	sbr.rel @p0 .LBB2_1-.Ltmp1, $4  }
0x125: {  	[hbm4b:s12+s2] =	stream.linear.scatter [tilespmem:s24], [sflag:$0x2], $0x800, $0x38;
	[tilespmem:$0x11000] =	vst v63  }
0x126: {  	_ =	swait.ge [sflag:s23], $0x800  }
0x127: {  	[sflag:s23] =	ssyncset.done $0x0  }
0x128: {  	[sflag:s23] =	ssyncadd.s32 $0xFFFFF800  }
0x129: {  	_ =	sfence.sel $0x180000  }
0x12a: {  	[bflag:$0x0] =	sbarrier.arrive $0xFFFF  }
0x12b: {  	p0 =	sne.s32 s0, $0x0;
	_ =	strace $0x90000047  }
0x12c: {  	s0 =	sadd.s32 @!p0 $0x100000, s1;
	[bflag:$0x2] =	sbarrier.arrive $0xFFFF  }
0x12d: {  	[sflag:s0] =	ssyncadd.tile.s32 @!p0 $0x1;
	_ =	shalt  }
.Lfunc_end2:
_tile_overlayer_lowered:
.L_overlay_start_2:
0x12e: {  	(tag) =	ssettag $0x2  }
0x12f: {  	s0 =	rddreg [dreg:$0x0];
	s2 =	stileid.u32  }
0x130: {  	s1 =	rddreg [dreg:$0x1];
	p0 =	sne.s32 s2, $0x0  }
0x131: {  	s3 =	rddreg [dreg:$0x2];
	[bflag:$0x3] =	sbarrier.arrive $0xFFFF;
	s2 =	simm.s32 @!p0 $0x1C02  }
0x132: {  	[timem:s3], [sflag:s2] =	dma.local @!p0 [hbm:s0], s1  }
0x133: {  	s0 =	simm.s32 @!p0 $0x2  }
0x134: {  	_ =	swait.ge @!p0 [sflag:s0], s1  }
0x135: {  	s1 =	ssub.s32 @!p0 $0x0, s1;
	[sflag:s0] =	ssyncset.done @!p0 $0x0  }
0x136: {  	[sflag:s0] =	ssyncadd.s32 @!p0 s1  }
0x137: {  	[bflag:$0x3] =	sbarrier.arrive $0xFFFF  }
0x138: {  	_ =	shalt  }

</sc_bundles>
